<compile_context>
chip_gen: v7x
topology: tpu7x:2x2x1
jax: 0.10.2.dev20260603
libtpu: 0.0.44.dev20260713+nightly
codegen_flags: <defaults>
</compile_context>

<pallas_src>
import functools

import jax
import jax.numpy as jnp
from jax import lax
from jax.experimental import pallas as pl
from jax.experimental.pallas import tpu as pltpu
from jax.experimental.pallas import tpu_sc as plsc

N = 10000
E = 320000
D = 128
DW = 16
NC, NS = 2, 16
NW = NC * NS
B = 80
NB = 125
EPW = NB * B
EP = NW * EPW
RPS = 640
NP = NS * RPS

_mesh = plsc.VectorSubcoreMesh(
    core_axis_name="c", subcore_axis_name="s", num_cores=NC, num_subcores=NS)


@functools.partial(
    pl.kernel,
    out_type=jax.ShapeDtypeStruct((NC, NP), jnp.float32),
    mesh=_mesh,
    scratch_types=[
        pltpu.VMEM_SHARED((NP,), jnp.float32),
        pltpu.VMEM((4, B), jnp.int32),
        pltpu.VMEM((B,), jnp.float32),
        pltpu.SemaphoreType.DMA,
        pltpu.SemaphoreType.DMA,
        pltpu.SemaphoreType.DMA,
        pltpu.SemaphoreType.DMA,
    ],
)
def _deg_kernel(dst1d, ones_hbm, zeros_hbm, out, deg_sh, didx4, ones_v,
                isem0, isem1, ssem0, ssem1):
    c = lax.axis_index("c")
    s = lax.axis_index("s")
    w = c * NS + s
    isems = (isem0, isem1)
    ssems = (ssem0, ssem1)
    pltpu.sync_copy(ones_hbm, ones_v)
    pltpu.sync_copy(zeros_hbm.at[pl.ds(s * RPS, RPS)],
                    deg_sh.at[pl.ds(s * RPS, RPS)])
    base = w * EPW

    def issue_idx(j, sem):
        pltpu.async_copy(
            dst1d.at[pl.ds(base + j * B, B)], didx4.at[lax.rem(j, 4)], sem)

    def wait_idx(j, sem):
        pltpu.make_async_copy(
            dst1d.at[pl.ds(base, B)], didx4.at[lax.rem(j, 4)], sem).wait()

    def start_scat(j, sem):
        pltpu.async_copy(
            ones_v, deg_sh.at[didx4.at[lax.rem(j, 4)]], sem, add=True)

    def drain_scat(j, sem):
        pltpu.make_async_copy(
            ones_v, deg_sh.at[didx4.at[lax.rem(j, 4)]], sem).wait()

    issue_idx(0, isem0)
    issue_idx(1, isem1)
    plsc.subcore_barrier()
    wait_idx(0, isem0)
    start_scat(0, ssem0)
    issue_idx(2, isem0)
    wait_idx(1, isem1)
    start_scat(1, ssem1)
    issue_idx(3, isem1)

    def body(j2, carry):
        for q in (0, 1):
            j = j2 * 2 + q
            jn = jnp.minimum(j + 2, NB - 1)
            drain_scat(j - 2, ssems[q])
            wait_idx(j, isems[q])
            start_scat(j, ssems[q])
            issue_idx(jn, isems[q])
        return carry

    lax.fori_loop(1, (NB - 1) // 2, body, None)
    drain_scat(NB - 3, ssems[(NB - 3) % 2])
    wait_idx(NB - 1, isems[(NB - 1) % 2])
    start_scat(NB - 1, ssems[(NB - 1) % 2])
    drain_scat(NB - 2, ssems[(NB - 2) % 2])
    drain_scat(NB - 1, ssems[(NB - 1) % 2])
    wait_idx(NB - 1, isems[(NB - 2) % 2])
    plsc.subcore_barrier()
    pltpu.sync_copy(deg_sh.at[pl.ds(s * RPS, RPS)],
                    out.at[c, pl.ds(s * RPS, RPS)])


@functools.partial(
    pl.kernel,
    out_type=jax.ShapeDtypeStruct((NC, NP, D), jnp.float32),
    mesh=_mesh,
    scratch_types=[
        pltpu.VMEM_SHARED((NP, D), jnp.float32),
        pltpu.VMEM((4, B), jnp.int32),
        pltpu.VMEM((4, B), jnp.int32),
        pltpu.VMEM((3, B, D), jnp.float32),
        pltpu.SemaphoreType.DMA,
        pltpu.SemaphoreType.DMA,
        pltpu.SemaphoreType.DMA,
        pltpu.SemaphoreType.DMA,
        pltpu.SemaphoreType.DMA,
        pltpu.SemaphoreType.DMA,
    ],
)
def _agg_kernel(src1d, dst1d, g_hbm, zeros_hbm, out, acc_sh, sidx4, didx4,
                rows3, isem0, isem1, gsem0, gsem1, ssem0, ssem1):
    c = lax.axis_index("c")
    s = lax.axis_index("s")
    w = c * NS + s
    isems = (isem0, isem1)
    gsems = (gsem0, gsem1)
    ssems = (ssem0, ssem1)
    base = w * EPW

    def issue_idx(j, sem):
        t = lax.rem(j, 4)
        pltpu.async_copy(src1d.at[pl.ds(base + j * B, B)], sidx4.at[t], sem)
        pltpu.async_copy(dst1d.at[pl.ds(base + j * B, B)], didx4.at[t], sem)

    def wait_idx(j, sem):
        t = lax.rem(j, 4)
        pltpu.make_async_copy(src1d.at[pl.ds(base, B)], sidx4.at[t],
                              sem).wait()
        pltpu.make_async_copy(dst1d.at[pl.ds(base, B)], didx4.at[t],
                              sem).wait()

    def issue_g(j, sem):
        pltpu.async_copy(
            g_hbm.at[sidx4.at[lax.rem(j, 4)]], rows3.at[lax.rem(j, 3)], sem)

    def wait_g(j, sem):
        pltpu.make_async_copy(
            g_hbm.at[sidx4.at[lax.rem(j, 4)]], rows3.at[lax.rem(j, 3)],
            sem).wait()

    def start_scat(j, sem):
        pltpu.async_copy(
            rows3.at[lax.rem(j, 3)], acc_sh.at[didx4.at[lax.rem(j, 4)]],
            sem, add=True)

    def drain_scat(j, sem):
        pltpu.make_async_copy(
            rows3.at[lax.rem(j, 3)], acc_sh.at[didx4.at[lax.rem(j, 4)]],
            sem).wait()

    issue_idx(0, isem0)
    issue_idx(1, isem1)
    pltpu.sync_copy(zeros_hbm.at[pl.ds(s * RPS, RPS)],
                    acc_sh.at[pl.ds(s * RPS, RPS)])
    plsc.subcore_barrier()

    wait_idx(0, isem0)
    issue_g(0, gsem0)
    issue_idx(2, isem0)
    wait_idx(1, isem1)
    issue_g(1, gsem1)
    issue_idx(3, isem1)
    wait_g(0, gsem0)
    start_scat(0, ssem0)
    wait_idx(2, isem0)
    issue_g(2, gsem0)
    wait_g(1, gsem1)

    def body(j2, carry):
        for q in (0, 1):
            j = j2 * 2 + q
            drain_scat(j - 2, ssems[q])
            start_scat(j - 1, ssems[1 - q])
            wait_idx(j + 1, isems[1 - q])
            issue_g(j + 1, gsems[1 - q])
            issue_idx(jnp.minimum(j + 2, NB - 1), isems[q])
            wait_g(j, gsems[q])
        return carry

    lax.fori_loop(1, (NB - 1) // 2, body, None)
    drain_scat(NB - 3, ssems[(NB - 3) % 2])
    start_scat(NB - 2, ssems[(NB - 2) % 2])
    wait_g(NB - 1, gsems[(NB - 1) % 2])
    start_scat(NB - 1, ssems[(NB - 1) % 2])
    drain_scat(NB - 2, ssems[(NB - 2) % 2])
    drain_scat(NB - 1, ssems[(NB - 1) % 2])
    wait_idx(NB - 1, isems[(NB - 2) % 2])
    plsc.subcore_barrier()
    pltpu.sync_copy(acc_sh.at[pl.ds(s * RPS, RPS)],
                    out.at[c, pl.ds(s * RPS, RPS)])


_RB = 1000


def _scale_body(x_ref, dga_ref, dgb_ref, g_ref):
    deg = dga_ref[...] + dgb_ref[...] + 1.0
    g_ref[...] = x_ref[...] * lax.rsqrt(deg)


def _tc_scale(x, dga, dgb):
    return pl.pallas_call(
        _scale_body,
        grid=(N // _RB,),
        in_specs=[
            pl.BlockSpec((_RB, D), lambda i: (i, 0)),
            pl.BlockSpec((_RB, 1), lambda i: (i, 0)),
            pl.BlockSpec((_RB, 1), lambda i: (i, 0)),
        ],
        out_specs=pl.BlockSpec((_RB, D), lambda i: (i, 0)),
        out_shape=jax.ShapeDtypeStruct((N, D), jnp.float32),
    )(x, dga, dgb)


def _final_body(acca_ref, accb_ref, g_ref, dga_ref, dgb_ref, w_ref, b_ref,
                o_ref):
    deg = dga_ref[...] + dgb_ref[...] + 1.0
    t = (acca_ref[0] + accb_ref[0] + g_ref[...]) * lax.rsqrt(deg)
    h = jnp.dot(t, w_ref[...], preferred_element_type=jnp.float32)
    h = h + b_ref[...]
    val = h[:, :D]
    gate = h[:, D:]
    o_ref[...] = val * (0.5 * gate * (1.0 + lax.erf(gate * 0.7071067811865476)))


def _tc_final(accp, g, dga, dgb, W, b2):
    return pl.pallas_call(
        _final_body,
        grid=(N // _RB,),
        in_specs=[
            pl.BlockSpec((1, _RB, D), lambda i: (0, i, 0)),
            pl.BlockSpec((1, _RB, D), lambda i: (1, i, 0)),
            pl.BlockSpec((_RB, D), lambda i: (i, 0)),
            pl.BlockSpec((_RB, 1), lambda i: (i, 0)),
            pl.BlockSpec((_RB, 1), lambda i: (i, 0)),
            pl.BlockSpec((D, 2 * D), lambda i: (0, 0)),
            pl.BlockSpec((1, 2 * D), lambda i: (0, 0)),
        ],
        out_specs=pl.BlockSpec((_RB, D), lambda i: (i, 0)),
        out_shape=jax.ShapeDtypeStruct((N, D), jnp.float32),
    )(accp, accp, g, dga, dgb, W, b2)


def kernel(x, edge_index, W, b):
    npad = EP - E
    pad_src = jnp.zeros((npad,), jnp.int32)
    pad_dst = N + (jnp.arange(npad, dtype=jnp.int32) % (NP - N))
    src1d = jnp.concatenate([edge_index[0].astype(jnp.int32), pad_src])
    dst1d = jnp.concatenate([edge_index[1].astype(jnp.int32), pad_dst])
    ones1 = jnp.ones((B,), jnp.float32)
    zdeg = jnp.zeros((NP,), jnp.float32)
    zacc = jnp.zeros((NP, D), jnp.float32)

    degp = _deg_kernel(dst1d, ones1, zdeg)
    dga = degp[0].reshape(NP, 1)
    dgb = degp[1].reshape(NP, 1)
    g = _tc_scale(x, dga, dgb)
    accp = _agg_kernel(src1d, dst1d, g, zacc)
    return _tc_final(accp, g, dga, dgb, W, b.reshape(1, 2 * D))

# --- scband reference (transcript-rebuilt; emitter-appended) ---
"""Pipeline reference for scband-graph-ge-glu-6880537608489 (READ-ONLY COPY).

The authoritative reference and input builder live on the scoring server;
editing this copy changes nothing except your own understanding.
"""

import jax, jax.numpy as jnp
import numpy as np

N_NODES = 10000
N_EDGES = 320000
D_IN = 128
D_OUT = 128


def setup_inputs(seed: int = 0) -> dict:
    key = jax.random.key(seed)
    k1, k2, k3 = jax.random.split(key, 3)
    x = jax.random.normal(k1, (N_NODES, D_IN), dtype=jnp.float32)
    edge_index = jax.random.randint(k2, (2, N_EDGES), 0, N_NODES, dtype=jnp.int64)
    # GCNConv linear weight: lin(x) = x @ W, W: [d_in, 2*d_out] (glorot init), bias zeros (PyG default init)
    limit = float(np.sqrt(6.0 / (D_IN + 2 * D_OUT)))
    W = jax.random.uniform(k3, (D_IN, 2 * D_OUT), minval=-limit, maxval=limit, dtype=jnp.float32)
    b = jnp.zeros((2 * D_OUT,), dtype=jnp.float32)
    return {"x": x, "edge_index": edge_index, "W": W, "b": b}


def _gcn_conv(x, edge_index, W, b):
    N = x.shape[0]
    loop = jnp.arange(N, dtype=edge_index.dtype)
    src = jnp.concatenate([edge_index[0], loop])
    dst = jnp.concatenate([edge_index[1], loop])
    # symmetric normalization with self-loops (PyG GCNConv default)
    ones = jnp.ones(src.shape[0], dtype=x.dtype)
    deg = jax.ops.segment_sum(ones, dst, num_segments=N)
    deg_inv_sqrt = jnp.where(deg > 0, jax.lax.rsqrt(deg), 0.0)
    norm = deg_inv_sqrt[src] * deg_inv_sqrt[dst]
    h = x @ W
    msg = h[src] * norm[:, None]
    out = jax.ops.segment_sum(msg, dst, num_segments=N)
    return out + b


def reference(x, edge_index, W, b):
    out = _gcn_conv(x, edge_index, W, b)
    val, gate = jnp.split(out, 2, axis=-1)
    # torch F.gelu default is exact (erf) gelu
    return val * jax.nn.gelu(gate, approximate=False)

if __name__ == "__main__":
    import jax
    _d = setup_inputs()
    print(jax.jit(kernel)(*tuple(_d.values())))

</pallas_src>

<mosaic_0001>
#map = affine_map<(d0, d1) -> (0)>
#map1 = affine_map<(d0, d1) -> (0, 0)>
#map2 = affine_map<(d0, d1) -> (0, 0, 0)>
module attributes {stable_mosaic.version = 14 : i64} {
  func.func @_agg_kernel(%arg0: i32, %arg1: i32, %arg2: memref<320000xi32, #tpu.memory_space<hbm>>, %arg3: memref<320000xi32, #tpu.memory_space<hbm>>, %arg4: memref<10000x128xf32, #tpu.memory_space<hbm>>, %arg5: memref<10240x128xf32, #tpu.memory_space<hbm>>, %arg6: memref<2x10240x128xf32, #tpu.memory_space<hbm>>, %arg7: memref<10240x128xf32, #tpu.memory_space<vmem_shared>>, %arg8: memref<4x80xi32, #tpu.memory_space<vmem>>, %arg9: memref<4x80xi32, #tpu.memory_space<vmem>>, %arg10: memref<3x80x128xf32, #tpu.memory_space<vmem>>, %arg11: memref<!tpu.dma_semaphore, #tpu.memory_space<semaphore_mem>>, %arg12: memref<!tpu.dma_semaphore, #tpu.memory_space<semaphore_mem>>, %arg13: memref<!tpu.dma_semaphore, #tpu.memory_space<semaphore_mem>>, %arg14: memref<!tpu.dma_semaphore, #tpu.memory_space<semaphore_mem>>, %arg15: memref<!tpu.dma_semaphore, #tpu.memory_space<semaphore_mem>>, %arg16: memref<!tpu.dma_semaphore, #tpu.memory_space<semaphore_mem>>) attributes {dimension_semantics = [#tpu.dimension_semantics<core_parallel>, #tpu.dimension_semantics<subcore_parallel>], iteration_bounds = array<i64: 2, 16>, scalar_prefetch = 0 : i64, scratch_operands = 10 : i64, tpu.core_type = #tpu.core_type<sc_vector_subcore>, window_params = [{transform_indices = #map}, {transform_indices = #map}, {transform_indices = #map1}, {transform_indices = #map1}, {transform_indices = #map2}]} {
    %mul3A = arith.constant 16 : i32
    %mul3A_0 = arith.muli %arg0, %mul3A : i32
    %add3A = arith.addi %mul3A_0, %arg1 : i32
    %mul3A_1 = arith.constant 10000 : i32
    %mul3A_2 = arith.muli %add3A, %mul3A_1 : i32
    %rem3A = arith.constant 0 : i32
    %rem3A_3 = arith.constant 4 : i32
    %rem3A_4 = arith.remsi %rem3A, %rem3A_3 : i32
    %add3A_5 = arith.constant 0 : i32
    %add3A_6 = arith.addi %mul3A_2, %add3A_5 : i32
    %dma_start3A = arith.constant 0 : i32
    %dma_start3A_7 = tpu.memref_slice %arg8[%rem3A_4, %dma_start3A] : memref<4x80xi32, #tpu.memory_space<vmem>> -> memref<1x80xi32, #tpu.memory_space<vmem>>
    %dma_start3A_8 = tpu.memref_squeeze %dma_start3A_7 : memref<1x80xi32, #tpu.memory_space<vmem>> -> memref<80xi32, #tpu.memory_space<vmem>>
    %dma_start3A_9 = tpu.memref_slice %arg2[%add3A_6] : memref<320000xi32, #tpu.memory_space<hbm>> -> memref<80xi32, #tpu.memory_space<hbm>>
    %dma_start3A_10 = arith.constant 0 : i32
    %dma_start3A_11 = tpu.memref_slice %arg8[%rem3A_4, %dma_start3A_10] : memref<4x80xi32, #tpu.memory_space<vmem>> -> memref<1x80xi32, #tpu.memory_space<vmem>>
    %dma_start3A_12 = tpu.memref_squeeze %dma_start3A_11 : memref<1x80xi32, #tpu.memory_space<vmem>> -> memref<80xi32, #tpu.memory_space<vmem>>
    %dma_start3A_13 = tpu.memref_slice %arg2[%add3A_6] : memref<320000xi32, #tpu.memory_space<hbm>> -> memref<80xi32, #tpu.memory_space<hbm>>
    tpu.enqueue_dma source(%dma_start3A_13 : memref<80xi32, #tpu.memory_space<hbm>>) target(%dma_start3A_12 : memref<80xi32, #tpu.memory_space<vmem>>) target_semaphore(%arg11 : memref<!tpu.dma_semaphore, #tpu.memory_space<semaphore_mem>>)
    %add3A_14 = arith.constant 0 : i32
    %add3A_15 = arith.addi %mul3A_2, %add3A_14 : i32
    %dma_start3A_16 = arith.constant 0 : i32
    %dma_start3A_17 = tpu.memref_slice %arg9[%rem3A_4, %dma_start3A_16] : memref<4x80xi32, #tpu.memory_space<vmem>> -> memref<1x80xi32, #tpu.memory_space<vmem>>
    %dma_start3A_18 = tpu.memref_squeeze %dma_start3A_17 : memref<1x80xi32, #tpu.memory_space<vmem>> -> memref<80xi32, #tpu.memory_space<vmem>>
    %dma_start3A_19 = tpu.memref_slice %arg3[%add3A_15] : memref<320000xi32, #tpu.memory_space<hbm>> -> memref<80xi32, #tpu.memory_space<hbm>>
    %dma_start3A_20 = arith.constant 0 : i32
    %dma_start3A_21 = tpu.memref_slice %arg9[%rem3A_4, %dma_start3A_20] : memref<4x80xi32, #tpu.memory_space<vmem>> -> memref<1x80xi32, #tpu.memory_space<vmem>>
    %dma_start3A_22 = tpu.memref_squeeze %dma_start3A_21 : memref<1x80xi32, #tpu.memory_space<vmem>> -> memref<80xi32, #tpu.memory_space<vmem>>
    %dma_start3A_23 = tpu.memref_slice %arg3[%add3A_15] : memref<320000xi32, #tpu.memory_space<hbm>> -> memref<80xi32, #tpu.memory_space<hbm>>
    tpu.enqueue_dma source(%dma_start3A_23 : memref<80xi32, #tpu.memory_space<hbm>>) target(%dma_start3A_22 : memref<80xi32, #tpu.memory_space<vmem>>) target_semaphore(%arg11 : memref<!tpu.dma_semaphore, #tpu.memory_space<semaphore_mem>>)
    %rem3A_24 = arith.constant 1 : i32
    %rem3A_25 = arith.constant 4 : i32
    %rem3A_26 = arith.remsi %rem3A_24, %rem3A_25 : i32
    %add3A_27 = arith.constant 80 : i32
    %add3A_28 = arith.addi %mul3A_2, %add3A_27 : i32
    %dma_start3A_29 = arith.constant 0 : i32
    %dma_start3A_30 = tpu.memref_slice %arg8[%rem3A_26, %dma_start3A_29] : memref<4x80xi32, #tpu.memory_space<vmem>> -> memref<1x80xi32, #tpu.memory_space<vmem>>
    %dma_start3A_31 = tpu.memref_squeeze %dma_start3A_30 : memref<1x80xi32, #tpu.memory_space<vmem>> -> memref<80xi32, #tpu.memory_space<vmem>>
    %dma_start3A_32 = tpu.memref_slice %arg2[%add3A_28] : memref<320000xi32, #tpu.memory_space<hbm>> -> memref<80xi32, #tpu.memory_space<hbm>>
    %dma_start3A_33 = arith.constant 0 : i32
    %dma_start3A_34 = tpu.memref_slice %arg8[%rem3A_26, %dma_start3A_33] : memref<4x80xi32, #tpu.memory_space<vmem>> -> memref<1x80xi32, #tpu.memory_space<vmem>>
    %dma_start3A_35 = tpu.memref_squeeze %dma_start3A_34 : memref<1x80xi32, #tpu.memory_space<vmem>> -> memref<80xi32, #tpu.memory_space<vmem>>
    %dma_start3A_36 = tpu.memref_slice %arg2[%add3A_28] : memref<320000xi32, #tpu.memory_space<hbm>> -> memref<80xi32, #tpu.memory_space<hbm>>
    tpu.enqueue_dma source(%dma_start3A_36 : memref<80xi32, #tpu.memory_space<hbm>>) target(%dma_start3A_35 : memref<80xi32, #tpu.memory_space<vmem>>) target_semaphore(%arg12 : memref<!tpu.dma_semaphore, #tpu.memory_space<semaphore_mem>>)
    %add3A_37 = arith.constant 80 : i32
    %add3A_38 = arith.addi %mul3A_2, %add3A_37 : i32
    %dma_start3A_39 = arith.constant 0 : i32
    %dma_start3A_40 = tpu.memref_slice %arg9[%rem3A_26, %dma_start3A_39] : memref<4x80xi32, #tpu.memory_space<vmem>> -> memref<1x80xi32, #tpu.memory_space<vmem>>
    %dma_start3A_41 = tpu.memref_squeeze %dma_start3A_40 : memref<1x80xi32, #tpu.memory_space<vmem>> -> memref<80xi32, #tpu.memory_space<vmem>>
    %dma_start3A_42 = tpu.memref_slice %arg3[%add3A_38] : memref<320000xi32, #tpu.memory_space<hbm>> -> memref<80xi32, #tpu.memory_space<hbm>>
    %dma_start3A_43 = arith.constant 0 : i32
    %dma_start3A_44 = tpu.memref_slice %arg9[%rem3A_26, %dma_start3A_43] : memref<4x80xi32, #tpu.memory_space<vmem>> -> memref<1x80xi32, #tpu.memory_space<vmem>>
    %dma_start3A_45 = tpu.memref_squeeze %dma_start3A_44 : memref<1x80xi32, #tpu.memory_space<vmem>> -> memref<80xi32, #tpu.memory_space<vmem>>
    %dma_start3A_46 = tpu.memref_slice %arg3[%add3A_38] : memref<320000xi32, #tpu.memory_space<hbm>> -> memref<80xi32, #tpu.memory_space<hbm>>
    tpu.enqueue_dma source(%dma_start3A_46 : memref<80xi32, #tpu.memory_space<hbm>>) target(%dma_start3A_45 : memref<80xi32, #tpu.memory_space<vmem>>) target_semaphore(%arg12 : memref<!tpu.dma_semaphore, #tpu.memory_space<semaphore_mem>>)
    %mul3A_47 = arith.constant 640 : i32
    %mul3A_48 = arith.muli %arg1, %mul3A_47 : i32
    %mul3A_49 = arith.constant 640 : i32
    %mul3A_50 = arith.muli %arg1, %mul3A_49 : i32
    "tpu.region"() ({
      %run_scoped3A = tpu.sem_alloc : memref<!tpu.dma_semaphore, #tpu.memory_space<semaphore_mem>>
      %dma_start3A_373 = arith.constant 0 : i32
      %dma_start3A_374 = tpu.memref_slice %arg7[%mul3A_50, %dma_start3A_373] : memref<10240x128xf32, #tpu.memory_space<vmem_shared>> -> memref<640x128xf32, #tpu.memory_space<vmem_shared>>
      %dma_start3A_375 = arith.constant 0 : i32
      %dma_start3A_376 = tpu.memref_slice %arg5[%mul3A_48, %dma_start3A_375] : memref<10240x128xf32, #tpu.memory_space<hbm>> -> memref<640x128xf32, #tpu.memory_space<hbm>>
      tpu.enqueue_dma source(%dma_start3A_376 : memref<640x128xf32, #tpu.memory_space<hbm>>) target(%dma_start3A_374 : memref<640x128xf32, #tpu.memory_space<vmem_shared>>) target_semaphore(%run_scoped3A : memref<!tpu.dma_semaphore, #tpu.memory_space<semaphore_mem>>)
      %dma_wait3A_377 = arith.constant 0 : i32
      %dma_wait3A_378 = tpu.memref_slice %arg7[%mul3A_50, %dma_wait3A_377] : memref<10240x128xf32, #tpu.memory_space<vmem_shared>> -> memref<640x128xf32, #tpu.memory_space<vmem_shared>>
      %dma_wait3A_379 = arith.constant 0 : i32
      %dma_wait3A_380 = tpu.memref_slice %arg5[%mul3A_48, %dma_wait3A_379] : memref<10240x128xf32, #tpu.memory_space<hbm>> -> memref<640x128xf32, #tpu.memory_space<hbm>>
      tpu.wait_dma2 semaphore(%run_scoped3A : memref<!tpu.dma_semaphore, #tpu.memory_space<semaphore_mem>>) src(%dma_wait3A_380 : memref<640x128xf32, #tpu.memory_space<hbm>>) dst(%dma_wait3A_378 : memref<640x128xf32, #tpu.memory_space<vmem_shared>>)
      tpu.yield
    }) : () -> ()
    %barrier3A = arith.constant 0 : index
    tpu.barrier barrier_id(%barrier3A)
    %rem3A_51 = arith.constant 0 : i32
    %rem3A_52 = arith.constant 4 : i32
    %rem3A_53 = arith.remsi %rem3A_51, %rem3A_52 : i32
    %dma_wait3A = arith.constant 0 : i32
    %dma_wait3A_54 = tpu.memref_slice %arg8[%rem3A_53, %dma_wait3A] : memref<4x80xi32, #tpu.memory_space<vmem>> -> memref<1x80xi32, #tpu.memory_space<vmem>>
    %dma_wait3A_55 = tpu.memref_squeeze %dma_wait3A_54 : memref<1x80xi32, #tpu.memory_space<vmem>> -> memref<80xi32, #tpu.memory_space<vmem>>
    %dma_wait3A_56 = tpu.memref_slice %arg2[%mul3A_2] : memref<320000xi32, #tpu.memory_space<hbm>> -> memref<80xi32, #tpu.memory_space<hbm>>
    %dma_wait3A_57 = arith.constant 0 : i32
    %dma_wait3A_58 = tpu.memref_slice %arg8[%rem3A_53, %dma_wait3A_57] : memref<4x80xi32, #tpu.memory_space<vmem>> -> memref<1x80xi32, #tpu.memory_space<vmem>>
    %dma_wait3A_59 = tpu.memref_squeeze %dma_wait3A_58 : memref<1x80xi32, #tpu.memory_space<vmem>> -> memref<80xi32, #tpu.memory_space<vmem>>
    %dma_wait3A_60 = tpu.memref_slice %arg2[%mul3A_2] : memref<320000xi32, #tpu.memory_space<hbm>> -> memref<80xi32, #tpu.memory_space<hbm>>
    tpu.wait_dma2 semaphore(%arg11 : memref<!tpu.dma_semaphore, #tpu.memory_space<semaphore_mem>>) src(%dma_wait3A_60 : memref<80xi32, #tpu.memory_space<hbm>>) dst(%dma_wait3A_59 : memref<80xi32, #tpu.memory_space<vmem>>)
    %dma_wait3A_61 = arith.constant 0 : i32
    %dma_wait3A_62 = tpu.memref_slice %arg9[%rem3A_53, %dma_wait3A_61] : memref<4x80xi32, #tpu.memory_space<vmem>> -> memref<1x80xi32, #tpu.memory_space<vmem>>
    %dma_wait3A_63 = tpu.memref_squeeze %dma_wait3A_62 : memref<1x80xi32, #tpu.memory_space<vmem>> -> memref<80xi32, #tpu.memory_space<vmem>>
    %dma_wait3A_64 = tpu.memref_slice %arg3[%mul3A_2] : memref<320000xi32, #tpu.memory_space<hbm>> -> memref<80xi32, #tpu.memory_space<hbm>>
    %dma_wait3A_65 = arith.constant 0 : i32
    %dma_wait3A_66 = tpu.memref_slice %arg9[%rem3A_53, %dma_wait3A_65] : memref<4x80xi32, #tpu.memory_space<vmem>> -> memref<1x80xi32, #tpu.memory_space<vmem>>
    %dma_wait3A_67 = tpu.memref_squeeze %dma_wait3A_66 : memref<1x80xi32, #tpu.memory_space<vmem>> -> memref<80xi32, #tpu.memory_space<vmem>>
    %dma_wait3A_68 = tpu.memref_slice %arg3[%mul3A_2] : memref<320000xi32, #tpu.memory_space<hbm>> -> memref<80xi32, #tpu.memory_space<hbm>>
    tpu.wait_dma2 semaphore(%arg11 : memref<!tpu.dma_semaphore, #tpu.memory_space<semaphore_mem>>) src(%dma_wait3A_68 : memref<80xi32, #tpu.memory_space<hbm>>) dst(%dma_wait3A_67 : memref<80xi32, #tpu.memory_space<vmem>>)
    %rem3A_69 = arith.constant 0 : i32
    %rem3A_70 = arith.constant 4 : i32
    %rem3A_71 = arith.remsi %rem3A_69, %rem3A_70 : i32
    %rem3A_72 = arith.constant 0 : i32
    %rem3A_73 = arith.constant 3 : i32
    %rem3A_74 = arith.remsi %rem3A_72, %rem3A_73 : i32
    %dma_start3A_75 = arith.constant 0 : i32
    %dma_start3A_76 = arith.constant 0 : i32
    %dma_start3A_77 = tpu.memref_slice %arg10[%rem3A_74, %dma_start3A_75, %dma_start3A_76] : memref<3x80x128xf32, #tpu.memory_space<vmem>> -> memref<1x80x128xf32, #tpu.memory_space<vmem>>
    %dma_start3A_78 = tpu.memref_squeeze %dma_start3A_77 : memref<1x80x128xf32, #tpu.memory_space<vmem>> -> memref<80x128xf32, #tpu.memory_space<vmem>>
    %dma_start3A_79 = arith.constant 0 : i32
    %dma_start3A_80 = tpu.memref_slice %arg8[%rem3A_71, %dma_start3A_79] : memref<4x80xi32, #tpu.memory_space<vmem>> -> memref<1x80xi32, #tpu.memory_space<vmem>>
    %dma_start3A_81 = tpu.memref_squeeze %dma_start3A_80 : memref<1x80xi32, #tpu.memory_space<vmem>> -> memref<80xi32, #tpu.memory_space<vmem>>
    %dma_start3A_82 = arith.constant 0 : i32
    %dma_start3A_83 = arith.constant 0 : i32
    %dma_start3A_84 = tpu.memref_slice %arg4[%dma_start3A_82, %dma_start3A_83] : memref<10000x128xf32, #tpu.memory_space<hbm>> -> memref<10000x128xf32, #tpu.memory_space<hbm>>
    tpu.enqueue_indirect_dma source(%dma_start3A_84 : memref<10000x128xf32, #tpu.memory_space<hbm>>) target(%dma_start3A_78 : memref<80x128xf32, #tpu.memory_space<vmem>>) offsets(%dma_start3A_81 : memref<80xi32, #tpu.memory_space<vmem>>) semaphore(%arg13 : memref<!tpu.dma_semaphore, #tpu.memory_space<semaphore_mem>>)
    %rem3A_85 = arith.constant 2 : i32
    %rem3A_86 = arith.constant 4 : i32
    %rem3A_87 = arith.remsi %rem3A_85, %rem3A_86 : i32
    %add3A_88 = arith.constant 160 : i32
    %add3A_89 = arith.addi %mul3A_2, %add3A_88 : i32
    %dma_start3A_90 = arith.constant 0 : i32
    %dma_start3A_91 = tpu.memref_slice %arg8[%rem3A_87, %dma_start3A_90] : memref<4x80xi32, #tpu.memory_space<vmem>> -> memref<1x80xi32, #tpu.memory_space<vmem>>
    %dma_start3A_92 = tpu.memref_squeeze %dma_start3A_91 : memref<1x80xi32, #tpu.memory_space<vmem>> -> memref<80xi32, #tpu.memory_space<vmem>>
    %dma_start3A_93 = tpu.memref_slice %arg2[%add3A_89] : memref<320000xi32, #tpu.memory_space<hbm>> -> memref<80xi32, #tpu.memory_space<hbm>>
    %dma_start3A_94 = arith.constant 0 : i32
    %dma_start3A_95 = tpu.memref_slice %arg8[%rem3A_87, %dma_start3A_94] : memref<4x80xi32, #tpu.memory_space<vmem>> -> memref<1x80xi32, #tpu.memory_space<vmem>>
    %dma_start3A_96 = tpu.memref_squeeze %dma_start3A_95 : memref<1x80xi32, #tpu.memory_space<vmem>> -> memref<80xi32, #tpu.memory_space<vmem>>
    %dma_start3A_97 = tpu.memref_slice %arg2[%add3A_89] : memref<320000xi32, #tpu.memory_space<hbm>> -> memref<80xi32, #tpu.memory_space<hbm>>
    tpu.enqueue_dma source(%dma_start3A_97 : memref<80xi32, #tpu.memory_space<hbm>>) target(%dma_start3A_96 : memref<80xi32, #tpu.memory_space<vmem>>) target_semaphore(%arg11 : memref<!tpu.dma_semaphore, #tpu.memory_space<semaphore_mem>>)
    %add3A_98 = arith.constant 160 : i32
    %add3A_99 = arith.addi %mul3A_2, %add3A_98 : i32
    %dma_start3A_100 = arith.constant 0 : i32
    %dma_start3A_101 = tpu.memref_slice %arg9[%rem3A_87, %dma_start3A_100] : memref<4x80xi32, #tpu.memory_space<vmem>> -> memref<1x80xi32, #tpu.memory_space<vmem>>
    %dma_start3A_102 = tpu.memref_squeeze %dma_start3A_101 : memref<1x80xi32, #tpu.memory_space<vmem>> -> memref<80xi32, #tpu.memory_space<vmem>>
    %dma_start3A_103 = tpu.memref_slice %arg3[%add3A_99] : memref<320000xi32, #tpu.memory_space<hbm>> -> memref<80xi32, #tpu.memory_space<hbm>>
    %dma_start3A_104 = arith.constant 0 : i32
    %dma_start3A_105 = tpu.memref_slice %arg9[%rem3A_87, %dma_start3A_104] : memref<4x80xi32, #tpu.memory_space<vmem>> -> memref<1x80xi32, #tpu.memory_space<vmem>>
    %dma_start3A_106 = tpu.memref_squeeze %dma_start3A_105 : memref<1x80xi32, #tpu.memory_space<vmem>> -> memref<80xi32, #tpu.memory_space<vmem>>
    %dma_start3A_107 = tpu.memref_slice %arg3[%add3A_99] : memref<320000xi32, #tpu.memory_space<hbm>> -> memref<80xi32, #tpu.memory_space<hbm>>
    tpu.enqueue_dma source(%dma_start3A_107 : memref<80xi32, #tpu.memory_space<hbm>>) target(%dma_start3A_106 : memref<80xi32, #tpu.memory_space<vmem>>) target_semaphore(%arg11 : memref<!tpu.dma_semaphore, #tpu.memory_space<semaphore_mem>>)
    %rem3A_108 = arith.constant 1 : i32
    %rem3A_109 = arith.constant 4 : i32
    %rem3A_110 = arith.remsi %rem3A_108, %rem3A_109 : i32
    %dma_wait3A_111 = arith.constant 0 : i32
    %dma_wait3A_112 = tpu.memref_slice %arg8[%rem3A_110, %dma_wait3A_111] : memref<4x80xi32, #tpu.memory_space<vmem>> -> memref<1x80xi32, #tpu.memory_space<vmem>>
    %dma_wait3A_113 = tpu.memref_squeeze %dma_wait3A_112 : memref<1x80xi32, #tpu.memory_space<vmem>> -> memref<80xi32, #tpu.memory_space<vmem>>
    %dma_wait3A_114 = tpu.memref_slice %arg2[%mul3A_2] : memref<320000xi32, #tpu.memory_space<hbm>> -> memref<80xi32, #tpu.memory_space<hbm>>
    %dma_wait3A_115 = arith.constant 0 : i32
    %dma_wait3A_116 = tpu.memref_slice %arg8[%rem3A_110, %dma_wait3A_115] : memref<4x80xi32, #tpu.memory_space<vmem>> -> memref<1x80xi32, #tpu.memory_space<vmem>>
    %dma_wait3A_117 = tpu.memref_squeeze %dma_wait3A_116 : memref<1x80xi32, #tpu.memory_space<vmem>> -> memref<80xi32, #tpu.memory_space<vmem>>
    %dma_wait3A_118 = tpu.memref_slice %arg2[%mul3A_2] : memref<320000xi32, #tpu.memory_space<hbm>> -> memref<80xi32, #tpu.memory_space<hbm>>
    tpu.wait_dma2 semaphore(%arg12 : memref<!tpu.dma_semaphore, #tpu.memory_space<semaphore_mem>>) src(%dma_wait3A_118 : memref<80xi32, #tpu.memory_space<hbm>>) dst(%dma_wait3A_117 : memref<80xi32, #tpu.memory_space<vmem>>)
    %dma_wait3A_119 = arith.constant 0 : i32
    %dma_wait3A_120 = tpu.memref_slice %arg9[%rem3A_110, %dma_wait3A_119] : memref<4x80xi32, #tpu.memory_space<vmem>> -> memref<1x80xi32, #tpu.memory_space<vmem>>
    %dma_wait3A_121 = tpu.memref_squeeze %dma_wait3A_120 : memref<1x80xi32, #tpu.memory_space<vmem>> -> memref<80xi32, #tpu.memory_space<vmem>>
    %dma_wait3A_122 = tpu.memref_slice %arg3[%mul3A_2] : memref<320000xi32, #tpu.memory_space<hbm>> -> memref<80xi32, #tpu.memory_space<hbm>>
    %dma_wait3A_123 = arith.constant 0 : i32
    %dma_wait3A_124 = tpu.memref_slice %arg9[%rem3A_110, %dma_wait3A_123] : memref<4x80xi32, #tpu.memory_space<vmem>> -> memref<1x80xi32, #tpu.memory_space<vmem>>
    %dma_wait3A_125 = tpu.memref_squeeze %dma_wait3A_124 : memref<1x80xi32, #tpu.memory_space<vmem>> -> memref<80xi32, #tpu.memory_space<vmem>>
    %dma_wait3A_126 = tpu.memref_slice %arg3[%mul3A_2] : memref<320000xi32, #tpu.memory_space<hbm>> -> memref<80xi32, #tpu.memory_space<hbm>>
    tpu.wait_dma2 semaphore(%arg12 : memref<!tpu.dma_semaphore, #tpu.memory_space<semaphore_mem>>) src(%dma_wait3A_126 : memref<80xi32, #tpu.memory_space<hbm>>) dst(%dma_wait3A_125 : memref<80xi32, #tpu.memory_space<vmem>>)
    %rem3A_127 = arith.constant 1 : i32
    %rem3A_128 = arith.constant 4 : i32
    %rem3A_129 = arith.remsi %rem3A_127, %rem3A_128 : i32
    %rem3A_130 = arith.constant 1 : i32
    %rem3A_131 = arith.constant 3 : i32
    %rem3A_132 = arith.remsi %rem3A_130, %rem3A_131 : i32
    %dma_start3A_133 = arith.constant 0 : i32
    %dma_start3A_134 = arith.constant 0 : i32
    %dma_start3A_135 = tpu.memref_slice %arg10[%rem3A_132, %dma_start3A_133, %dma_start3A_134] : memref<3x80x128xf32, #tpu.memory_space<vmem>> -> memref<1x80x128xf32, #tpu.memory_space<vmem>>
    %dma_start3A_136 = tpu.memref_squeeze %dma_start3A_135 : memref<1x80x128xf32, #tpu.memory_space<vmem>> -> memref<80x128xf32, #tpu.memory_space<vmem>>
    %dma_start3A_137 = arith.constant 0 : i32
    %dma_start3A_138 = tpu.memref_slice %arg8[%rem3A_129, %dma_start3A_137] : memref<4x80xi32, #tpu.memory_space<vmem>> -> memref<1x80xi32, #tpu.memory_space<vmem>>
    %dma_start3A_139 = tpu.memref_squeeze %dma_start3A_138 : memref<1x80xi32, #tpu.memory_space<vmem>> -> memref<80xi32, #tpu.memory_space<vmem>>
    %dma_start3A_140 = arith.constant 0 : i32
    %dma_start3A_141 = arith.constant 0 : i32
    %dma_start3A_142 = tpu.memref_slice %arg4[%dma_start3A_140, %dma_start3A_141] : memref<10000x128xf32, #tpu.memory_space<hbm>> -> memref<10000x128xf32, #tpu.memory_space<hbm>>
    tpu.enqueue_indirect_dma source(%dma_start3A_142 : memref<10000x128xf32, #tpu.memory_space<hbm>>) target(%dma_start3A_136 : memref<80x128xf32, #tpu.memory_space<vmem>>) offsets(%dma_start3A_139 : memref<80xi32, #tpu.memory_space<vmem>>) semaphore(%arg14 : memref<!tpu.dma_semaphore, #tpu.memory_space<semaphore_mem>>)
    %rem3A_143 = arith.constant 3 : i32
    %rem3A_144 = arith.constant 4 : i32
    %rem3A_145 = arith.remsi %rem3A_143, %rem3A_144 : i32
    %add3A_146 = arith.constant 240 : i32
    %add3A_147 = arith.addi %mul3A_2, %add3A_146 : i32
    %dma_start3A_148 = arith.constant 0 : i32
    %dma_start3A_149 = tpu.memref_slice %arg8[%rem3A_145, %dma_start3A_148] : memref<4x80xi32, #tpu.memory_space<vmem>> -> memref<1x80xi32, #tpu.memory_space<vmem>>
    %dma_start3A_150 = tpu.memref_squeeze %dma_start3A_149 : memref<1x80xi32, #tpu.memory_space<vmem>> -> memref<80xi32, #tpu.memory_space<vmem>>
    %dma_start3A_151 = tpu.memref_slice %arg2[%add3A_147] : memref<320000xi32, #tpu.memory_space<hbm>> -> memref<80xi32, #tpu.memory_space<hbm>>
    %dma_start3A_152 = arith.constant 0 : i32
    %dma_start3A_153 = tpu.memref_slice %arg8[%rem3A_145, %dma_start3A_152] : memref<4x80xi32, #tpu.memory_space<vmem>> -> memref<1x80xi32, #tpu.memory_space<vmem>>
    %dma_start3A_154 = tpu.memref_squeeze %dma_start3A_153 : memref<1x80xi32, #tpu.memory_space<vmem>> -> memref<80xi32, #tpu.memory_space<vmem>>
    %dma_start3A_155 = tpu.memref_slice %arg2[%add3A_147] : memref<320000xi32, #tpu.memory_space<hbm>> -> memref<80xi32, #tpu.memory_space<hbm>>
    tpu.enqueue_dma source(%dma_start3A_155 : memref<80xi32, #tpu.memory_space<hbm>>) target(%dma_start3A_154 : memref<80xi32, #tpu.memory_space<vmem>>) target_semaphore(%arg12 : memref<!tpu.dma_semaphore, #tpu.memory_space<semaphore_mem>>)
    %add3A_156 = arith.constant 240 : i32
    %add3A_157 = arith.addi %mul3A_2, %add3A_156 : i32
    %dma_start3A_158 = arith.constant 0 : i32
    %dma_start3A_159 = tpu.memref_slice %arg9[%rem3A_145, %dma_start3A_158] : memref<4x80xi32, #tpu.memory_space<vmem>> -> memref<1x80xi32, #tpu.memory_space<vmem>>
    %dma_start3A_160 = tpu.memref_squeeze %dma_start3A_159 : memref<1x80xi32, #tpu.memory_space<vmem>> -> memref<80xi32, #tpu.memory_space<vmem>>
    %dma_start3A_161 = tpu.memref_slice %arg3[%add3A_157] : memref<320000xi32, #tpu.memory_space<hbm>> -> memref<80xi32, #tpu.memory_space<hbm>>
    %dma_start3A_162 = arith.constant 0 : i32
    %dma_start3A_163 = tpu.memref_slice %arg9[%rem3A_145, %dma_start3A_162] : memref<4x80xi32, #tpu.memory_space<vmem>> -> memref<1x80xi32, #tpu.memory_space<vmem>>
    %dma_start3A_164 = tpu.memref_squeeze %dma_start3A_163 : memref<1x80xi32, #tpu.memory_space<vmem>> -> memref<80xi32, #tpu.memory_space<vmem>>
    %dma_start3A_165 = tpu.memref_slice %arg3[%add3A_157] : memref<320000xi32, #tpu.memory_space<hbm>> -> memref<80xi32, #tpu.memory_space<hbm>>
    tpu.enqueue_dma source(%dma_start3A_165 : memref<80xi32, #tpu.memory_space<hbm>>) target(%dma_start3A_164 : memref<80xi32, #tpu.memory_space<vmem>>) target_semaphore(%arg12 : memref<!tpu.dma_semaphore, #tpu.memory_space<semaphore_mem>>)
    %rem3A_166 = arith.constant 0 : i32
    %rem3A_167 = arith.constant 4 : i32
    %rem3A_168 = arith.remsi %rem3A_166, %rem3A_167 : i32
    %rem3A_169 = arith.constant 0 : i32
    %rem3A_170 = arith.constant 3 : i32
    %rem3A_171 = arith.remsi %rem3A_169, %rem3A_170 : i32
    %dma_wait3A_172 = arith.constant 0 : i32
    %dma_wait3A_173 = arith.constant 0 : i32
    %dma_wait3A_174 = tpu.memref_slice %arg10[%rem3A_171, %dma_wait3A_172, %dma_wait3A_173] : memref<3x80x128xf32, #tpu.memory_space<vmem>> -> memref<1x80x128xf32, #tpu.memory_space<vmem>>
    %dma_wait3A_175 = tpu.memref_squeeze %dma_wait3A_174 : memref<1x80x128xf32, #tpu.memory_space<vmem>> -> memref<80x128xf32, #tpu.memory_space<vmem>>
    %dma_wait3A_176 = arith.constant 0 : i32
    %dma_wait3A_177 = tpu.memref_slice %arg8[%rem3A_168, %dma_wait3A_176] : memref<4x80xi32, #tpu.memory_space<vmem>> -> memref<1x80xi32, #tpu.memory_space<vmem>>
    %dma_wait3A_178 = tpu.memref_squeeze %dma_wait3A_177 : memref<1x80xi32, #tpu.memory_space<vmem>> -> memref<80xi32, #tpu.memory_space<vmem>>
    %dma_wait3A_179 = arith.constant 0 : i32
    %dma_wait3A_180 = arith.constant 0 : i32
    %dma_wait3A_181 = tpu.memref_slice %arg4[%dma_wait3A_179, %dma_wait3A_180] : memref<10000x128xf32, #tpu.memory_space<hbm>> -> memref<10000x128xf32, #tpu.memory_space<hbm>>
    tpu.wait_indirect_dma semaphore(%arg13 : memref<!tpu.dma_semaphore, #tpu.memory_space<semaphore_mem>>) src(%dma_wait3A_181 : memref<10000x128xf32, #tpu.memory_space<hbm>>) dst(%dma_wait3A_175 : memref<80x128xf32, #tpu.memory_space<vmem>>)
    %rem3A_182 = arith.constant 0 : i32
    %rem3A_183 = arith.constant 3 : i32
    %rem3A_184 = arith.remsi %rem3A_182, %rem3A_183 : i32
    %rem3A_185 = arith.constant 0 : i32
    %rem3A_186 = arith.constant 4 : i32
    %rem3A_187 = arith.remsi %rem3A_185, %rem3A_186 : i32
    %dma_start3A_188 = arith.constant 0 : i32
    %dma_start3A_189 = arith.constant 0 : i32
    %dma_start3A_190 = tpu.memref_slice %arg10[%rem3A_184, %dma_start3A_188, %dma_start3A_189] : memref<3x80x128xf32, #tpu.memory_space<vmem>> -> memref<1x80x128xf32, #tpu.memory_space<vmem>>
    %dma_start3A_191 = tpu.memref_squeeze %dma_start3A_190 : memref<1x80x128xf32, #tpu.memory_space<vmem>> -> memref<80x128xf32, #tpu.memory_space<vmem>>
    %dma_start3A_192 = arith.constant 0 : i32
    %dma_start3A_193 = tpu.memref_slice %arg9[%rem3A_187, %dma_start3A_192] : memref<4x80xi32, #tpu.memory_space<vmem>> -> memref<1x80xi32, #tpu.memory_space<vmem>>
    %dma_start3A_194 = tpu.memref_squeeze %dma_start3A_193 : memref<1x80xi32, #tpu.memory_space<vmem>> -> memref<80xi32, #tpu.memory_space<vmem>>
    %dma_start3A_195 = arith.constant 0 : i32
    %dma_start3A_196 = arith.constant 0 : i32
    %dma_start3A_197 = tpu.memref_slice %arg7[%dma_start3A_195, %dma_start3A_196] : memref<10240x128xf32, #tpu.memory_space<vmem_shared>> -> memref<10240x128xf32, #tpu.memory_space<vmem_shared>>
    tpu.enqueue_indirect_dma source(%dma_start3A_191 : memref<80x128xf32, #tpu.memory_space<vmem>>) target(%dma_start3A_197 : memref<10240x128xf32, #tpu.memory_space<vmem_shared>>) offsets(%dma_start3A_194 : memref<80xi32, #tpu.memory_space<vmem>>) semaphore(%arg15 : memref<!tpu.dma_semaphore, #tpu.memory_space<semaphore_mem>>) {add = true}
    %rem3A_198 = arith.constant 2 : i32
    %rem3A_199 = arith.constant 4 : i32
    %rem3A_200 = arith.remsi %rem3A_198, %rem3A_199 : i32
    %dma_wait3A_201 = arith.constant 0 : i32
    %dma_wait3A_202 = tpu.memref_slice %arg8[%rem3A_200, %dma_wait3A_201] : memref<4x80xi32, #tpu.memory_space<vmem>> -> memref<1x80xi32, #tpu.memory_space<vmem>>
    %dma_wait3A_203 = tpu.memref_squeeze %dma_wait3A_202 : memref<1x80xi32, #tpu.memory_space<vmem>> -> memref<80xi32, #tpu.memory_space<vmem>>
    %dma_wait3A_204 = tpu.memref_slice %arg2[%mul3A_2] : memref<320000xi32, #tpu.memory_space<hbm>> -> memref<80xi32, #tpu.memory_space<hbm>>
    %dma_wait3A_205 = arith.constant 0 : i32
    %dma_wait3A_206 = tpu.memref_slice %arg8[%rem3A_200, %dma_wait3A_205] : memref<4x80xi32, #tpu.memory_space<vmem>> -> memref<1x80xi32, #tpu.memory_space<vmem>>
    %dma_wait3A_207 = tpu.memref_squeeze %dma_wait3A_206 : memref<1x80xi32, #tpu.memory_space<vmem>> -> memref<80xi32, #tpu.memory_space<vmem>>
    %dma_wait3A_208 = tpu.memref_slice %arg2[%mul3A_2] : memref<320000xi32, #tpu.memory_space<hbm>> -> memref<80xi32, #tpu.memory_space<hbm>>
    tpu.wait_dma2 semaphore(%arg11 : memref<!tpu.dma_semaphore, #tpu.memory_space<semaphore_mem>>) src(%dma_wait3A_208 : memref<80xi32, #tpu.memory_space<hbm>>) dst(%dma_wait3A_207 : memref<80xi32, #tpu.memory_space<vmem>>)
    %dma_wait3A_209 = arith.constant 0 : i32
    %dma_wait3A_210 = tpu.memref_slice %arg9[%rem3A_200, %dma_wait3A_209] : memref<4x80xi32, #tpu.memory_space<vmem>> -> memref<1x80xi32, #tpu.memory_space<vmem>>
    %dma_wait3A_211 = tpu.memref_squeeze %dma_wait3A_210 : memref<1x80xi32, #tpu.memory_space<vmem>> -> memref<80xi32, #tpu.memory_space<vmem>>
    %dma_wait3A_212 = tpu.memref_slice %arg3[%mul3A_2] : memref<320000xi32, #tpu.memory_space<hbm>> -> memref<80xi32, #tpu.memory_space<hbm>>
    %dma_wait3A_213 = arith.constant 0 : i32
    %dma_wait3A_214 = tpu.memref_slice %arg9[%rem3A_200, %dma_wait3A_213] : memref<4x80xi32, #tpu.memory_space<vmem>> -> memref<1x80xi32, #tpu.memory_space<vmem>>
    %dma_wait3A_215 = tpu.memref_squeeze %dma_wait3A_214 : memref<1x80xi32, #tpu.memory_space<vmem>> -> memref<80xi32, #tpu.memory_space<vmem>>
    %dma_wait3A_216 = tpu.memref_slice %arg3[%mul3A_2] : memref<320000xi32, #tpu.memory_space<hbm>> -> memref<80xi32, #tpu.memory_space<hbm>>
    tpu.wait_dma2 semaphore(%arg11 : memref<!tpu.dma_semaphore, #tpu.memory_space<semaphore_mem>>) src(%dma_wait3A_216 : memref<80xi32, #tpu.memory_space<hbm>>) dst(%dma_wait3A_215 : memref<80xi32, #tpu.memory_space<vmem>>)
    %rem3A_217 = arith.constant 2 : i32
    %rem3A_218 = arith.constant 4 : i32
    %rem3A_219 = arith.remsi %rem3A_217, %rem3A_218 : i32
    %rem3A_220 = arith.constant 2 : i32
    %rem3A_221 = arith.constant 3 : i32
    %rem3A_222 = arith.remsi %rem3A_220, %rem3A_221 : i32
    %dma_start3A_223 = arith.constant 0 : i32
    %dma_start3A_224 = arith.constant 0 : i32
    %dma_start3A_225 = tpu.memref_slice %arg10[%rem3A_222, %dma_start3A_223, %dma_start3A_224] : memref<3x80x128xf32, #tpu.memory_space<vmem>> -> memref<1x80x128xf32, #tpu.memory_space<vmem>>
    %dma_start3A_226 = tpu.memref_squeeze %dma_start3A_225 : memref<1x80x128xf32, #tpu.memory_space<vmem>> -> memref<80x128xf32, #tpu.memory_space<vmem>>
    %dma_start3A_227 = arith.constant 0 : i32
    %dma_start3A_228 = tpu.memref_slice %arg8[%rem3A_219, %dma_start3A_227] : memref<4x80xi32, #tpu.memory_space<vmem>> -> memref<1x80xi32, #tpu.memory_space<vmem>>
    %dma_start3A_229 = tpu.memref_squeeze %dma_start3A_228 : memref<1x80xi32, #tpu.memory_space<vmem>> -> memref<80xi32, #tpu.memory_space<vmem>>
    %dma_start3A_230 = arith.constant 0 : i32
    %dma_start3A_231 = arith.constant 0 : i32
    %dma_start3A_232 = tpu.memref_slice %arg4[%dma_start3A_230, %dma_start3A_231] : memref<10000x128xf32, #tpu.memory_space<hbm>> -> memref<10000x128xf32, #tpu.memory_space<hbm>>
    tpu.enqueue_indirect_dma source(%dma_start3A_232 : memref<10000x128xf32, #tpu.memory_space<hbm>>) target(%dma_start3A_226 : memref<80x128xf32, #tpu.memory_space<vmem>>) offsets(%dma_start3A_229 : memref<80xi32, #tpu.memory_space<vmem>>) semaphore(%arg13 : memref<!tpu.dma_semaphore, #tpu.memory_space<semaphore_mem>>)
    %rem3A_233 = arith.constant 1 : i32
    %rem3A_234 = arith.constant 4 : i32
    %rem3A_235 = arith.remsi %rem3A_233, %rem3A_234 : i32
    %rem3A_236 = arith.constant 1 : i32
    %rem3A_237 = arith.constant 3 : i32
    %rem3A_238 = arith.remsi %rem3A_236, %rem3A_237 : i32
    %dma_wait3A_239 = arith.constant 0 : i32
    %dma_wait3A_240 = arith.constant 0 : i32
    %dma_wait3A_241 = tpu.memref_slice %arg10[%rem3A_238, %dma_wait3A_239, %dma_wait3A_240] : memref<3x80x128xf32, #tpu.memory_space<vmem>> -> memref<1x80x128xf32, #tpu.memory_space<vmem>>
    %dma_wait3A_242 = tpu.memref_squeeze %dma_wait3A_241 : memref<1x80x128xf32, #tpu.memory_space<vmem>> -> memref<80x128xf32, #tpu.memory_space<vmem>>
    %dma_wait3A_243 = arith.constant 0 : i32
    %dma_wait3A_244 = tpu.memref_slice %arg8[%rem3A_235, %dma_wait3A_243] : memref<4x80xi32, #tpu.memory_space<vmem>> -> memref<1x80xi32, #tpu.memory_space<vmem>>
    %dma_wait3A_245 = tpu.memref_squeeze %dma_wait3A_244 : memref<1x80xi32, #tpu.memory_space<vmem>> -> memref<80xi32, #tpu.memory_space<vmem>>
    %dma_wait3A_246 = arith.constant 0 : i32
    %dma_wait3A_247 = arith.constant 0 : i32
    %dma_wait3A_248 = tpu.memref_slice %arg4[%dma_wait3A_246, %dma_wait3A_247] : memref<10000x128xf32, #tpu.memory_space<hbm>> -> memref<10000x128xf32, #tpu.memory_space<hbm>>
    tpu.wait_indirect_dma semaphore(%arg14 : memref<!tpu.dma_semaphore, #tpu.memory_space<semaphore_mem>>) src(%dma_wait3A_248 : memref<10000x128xf32, #tpu.memory_space<hbm>>) dst(%dma_wait3A_242 : memref<80x128xf32, #tpu.memory_space<vmem>>)
    %scan3A = arith.constant 1 : i32
    %scan3A_249 = arith.constant 61 : i32
    %scan3A_250 = arith.addi %scan3A, %scan3A_249 : i32
    %scan3A_251 = arith.constant 1 : i32
    scf.for %scan3A_373 = %scan3A to %scan3A_250 step %scan3A_251  : i32 {
      %mul3A_374 = arith.constant 2 : i32
      %mul3A_375 = arith.muli %scan3A_373, %mul3A_374 : i32
      %add3A_376 = arith.constant 0 : i32
      %add3A_377 = arith.addi %mul3A_375, %add3A_376 : i32
      %sub3A = arith.constant 2 : i32
      %sub3A_378 = arith.subi %add3A_377, %sub3A : i32
      %rem3A_379 = arith.constant 3 : i32
      %rem3A_380 = arith.remsi %sub3A_378, %rem3A_379 : i32
      %rem3A_381 = arith.constant 4 : i32
      %rem3A_382 = arith.remsi %sub3A_378, %rem3A_381 : i32
      %dma_wait3A_383 = arith.constant 0 : i32
      %dma_wait3A_384 = arith.constant 0 : i32
      %dma_wait3A_385 = tpu.memref_slice %arg10[%rem3A_380, %dma_wait3A_383, %dma_wait3A_384] : memref<3x80x128xf32, #tpu.memory_space<vmem>> -> memref<1x80x128xf32, #tpu.memory_space<vmem>>
      %dma_wait3A_386 = tpu.memref_squeeze %dma_wait3A_385 : memref<1x80x128xf32, #tpu.memory_space<vmem>> -> memref<80x128xf32, #tpu.memory_space<vmem>>
      %dma_wait3A_387 = arith.constant 0 : i32
      %dma_wait3A_388 = tpu.memref_slice %arg9[%rem3A_382, %dma_wait3A_387] : memref<4x80xi32, #tpu.memory_space<vmem>> -> memref<1x80xi32, #tpu.memory_space<vmem>>
      %dma_wait3A_389 = tpu.memref_squeeze %dma_wait3A_388 : memref<1x80xi32, #tpu.memory_space<vmem>> -> memref<80xi32, #tpu.memory_space<vmem>>
      %dma_wait3A_390 = arith.constant 0 : i32
      %dma_wait3A_391 = arith.constant 0 : i32
      %dma_wait3A_392 = tpu.memref_slice %arg7[%dma_wait3A_390, %dma_wait3A_391] : memref<10240x128xf32, #tpu.memory_space<vmem_shared>> -> memref<10240x128xf32, #tpu.memory_space<vmem_shared>>
      tpu.wait_indirect_dma semaphore(%arg15 : memref<!tpu.dma_semaphore, #tpu.memory_space<semaphore_mem>>) src(%dma_wait3A_386 : memref<80x128xf32, #tpu.memory_space<vmem>>) dst(%dma_wait3A_392 : memref<10240x128xf32, #tpu.memory_space<vmem_shared>>)
      %sub3A_393 = arith.constant 1 : i32
      %sub3A_394 = arith.subi %add3A_377, %sub3A_393 : i32
      %rem3A_395 = arith.constant 3 : i32
      %rem3A_396 = arith.remsi %sub3A_394, %rem3A_395 : i32
      %rem3A_397 = arith.constant 4 : i32
      %rem3A_398 = arith.remsi %sub3A_394, %rem3A_397 : i32
      %dma_start3A_399 = arith.constant 0 : i32
      %dma_start3A_400 = arith.constant 0 : i32
      %dma_start3A_401 = tpu.memref_slice %arg10[%rem3A_396, %dma_start3A_399, %dma_start3A_400] : memref<3x80x128xf32, #tpu.memory_space<vmem>> -> memref<1x80x128xf32, #tpu.memory_space<vmem>>
      %dma_start3A_402 = tpu.memref_squeeze %dma_start3A_401 : memref<1x80x128xf32, #tpu.memory_space<vmem>> -> memref<80x128xf32, #tpu.memory_space<vmem>>
      %dma_start3A_403 = arith.constant 0 : i32
      %dma_start3A_404 = tpu.memref_slice %arg9[%rem3A_398, %dma_start3A_403] : memref<4x80xi32, #tpu.memory_space<vmem>> -> memref<1x80xi32, #tpu.memory_space<vmem>>
      %dma_start3A_405 = tpu.memref_squeeze %dma_start3A_404 : memref<1x80xi32, #tpu.memory_space<vmem>> -> memref<80xi32, #tpu.memory_space<vmem>>
      %dma_start3A_406 = arith.constant 0 : i32
      %dma_start3A_407 = arith.constant 0 : i32
      %dma_start3A_408 = tpu.memref_slice %arg7[%dma_start3A_406, %dma_start3A_407] : memref<10240x128xf32, #tpu.memory_space<vmem_shared>> -> memref<10240x128xf32, #tpu.memory_space<vmem_shared>>
      tpu.enqueue_indirect_dma source(%dma_start3A_402 : memref<80x128xf32, #tpu.memory_space<vmem>>) target(%dma_start3A_408 : memref<10240x128xf32, #tpu.memory_space<vmem_shared>>) offsets(%dma_start3A_405 : memref<80xi32, #tpu.memory_space<vmem>>) semaphore(%arg16 : memref<!tpu.dma_semaphore, #tpu.memory_space<semaphore_mem>>) {add = true}
      %add3A_409 = arith.constant 1 : i32
      %add3A_410 = arith.addi %add3A_377, %add3A_409 : i32
      %rem3A_411 = arith.constant 4 : i32
      %rem3A_412 = arith.remsi %add3A_410, %rem3A_411 : i32
      %dma_wait3A_413 = arith.constant 0 : i32
      %dma_wait3A_414 = tpu.memref_slice %arg8[%rem3A_412, %dma_wait3A_413] : memref<4x80xi32, #tpu.memory_space<vmem>> -> memref<1x80xi32, #tpu.memory_space<vmem>>
      %dma_wait3A_415 = tpu.memref_squeeze %dma_wait3A_414 : memref<1x80xi32, #tpu.memory_space<vmem>> -> memref<80xi32, #tpu.memory_space<vmem>>
      %dma_wait3A_416 = tpu.memref_slice %arg2[%mul3A_2] : memref<320000xi32, #tpu.memory_space<hbm>> -> memref<80xi32, #tpu.memory_space<hbm>>
      %dma_wait3A_417 = arith.constant 0 : i32
      %dma_wait3A_418 = tpu.memref_slice %arg8[%rem3A_412, %dma_wait3A_417] : memref<4x80xi32, #tpu.memory_space<vmem>> -> memref<1x80xi32, #tpu.memory_space<vmem>>
      %dma_wait3A_419 = tpu.memref_squeeze %dma_wait3A_418 : memref<1x80xi32, #tpu.memory_space<vmem>> -> memref<80xi32, #tpu.memory_space<vmem>>
      %dma_wait3A_420 = tpu.memref_slice %arg2[%mul3A_2] : memref<320000xi32, #tpu.memory_space<hbm>> -> memref<80xi32, #tpu.memory_space<hbm>>
      tpu.wait_dma2 semaphore(%arg12 : memref<!tpu.dma_semaphore, #tpu.memory_space<semaphore_mem>>) src(%dma_wait3A_420 : memref<80xi32, #tpu.memory_space<hbm>>) dst(%dma_wait3A_419 : memref<80xi32, #tpu.memory_space<vmem>>)
      %dma_wait3A_421 = arith.constant 0 : i32
      %dma_wait3A_422 = tpu.memref_slice %arg9[%rem3A_412, %dma_wait3A_421] : memref<4x80xi32, #tpu.memory_space<vmem>> -> memref<1x80xi32, #tpu.memory_space<vmem>>
      %dma_wait3A_423 = tpu.memref_squeeze %dma_wait3A_422 : memref<1x80xi32, #tpu.memory_space<vmem>> -> memref<80xi32, #tpu.memory_space<vmem>>
      %dma_wait3A_424 = tpu.memref_slice %arg3[%mul3A_2] : memref<320000xi32, #tpu.memory_space<hbm>> -> memref<80xi32, #tpu.memory_space<hbm>>
      %dma_wait3A_425 = arith.constant 0 : i32
      %dma_wait3A_426 = tpu.memref_slice %arg9[%rem3A_412, %dma_wait3A_425] : memref<4x80xi32, #tpu.memory_space<vmem>> -> memref<1x80xi32, #tpu.memory_space<vmem>>
      %dma_wait3A_427 = tpu.memref_squeeze %dma_wait3A_426 : memref<1x80xi32, #tpu.memory_space<vmem>> -> memref<80xi32, #tpu.memory_space<vmem>>
      %dma_wait3A_428 = tpu.memref_slice %arg3[%mul3A_2] : memref<320000xi32, #tpu.memory_space<hbm>> -> memref<80xi32, #tpu.memory_space<hbm>>
      tpu.wait_dma2 semaphore(%arg12 : memref<!tpu.dma_semaphore, #tpu.memory_space<semaphore_mem>>) src(%dma_wait3A_428 : memref<80xi32, #tpu.memory_space<hbm>>) dst(%dma_wait3A_427 : memref<80xi32, #tpu.memory_space<vmem>>)
      %add3A_429 = arith.constant 1 : i32
      %add3A_430 = arith.addi %add3A_377, %add3A_429 : i32
      %rem3A_431 = arith.constant 4 : i32
      %rem3A_432 = arith.remsi %add3A_430, %rem3A_431 : i32
      %rem3A_433 = arith.constant 3 : i32
      %rem3A_434 = arith.remsi %add3A_430, %rem3A_433 : i32
      %dma_start3A_435 = arith.constant 0 : i32
      %dma_start3A_436 = arith.constant 0 : i32
      %dma_start3A_437 = tpu.memref_slice %arg10[%rem3A_434, %dma_start3A_435, %dma_start3A_436] : memref<3x80x128xf32, #tpu.memory_space<vmem>> -> memref<1x80x128xf32, #tpu.memory_space<vmem>>
      %dma_start3A_438 = tpu.memref_squeeze %dma_start3A_437 : memref<1x80x128xf32, #tpu.memory_space<vmem>> -> memref<80x128xf32, #tpu.memory_space<vmem>>
      %dma_start3A_439 = arith.constant 0 : i32
      %dma_start3A_440 = tpu.memref_slice %arg8[%rem3A_432, %dma_start3A_439] : memref<4x80xi32, #tpu.memory_space<vmem>> -> memref<1x80xi32, #tpu.memory_space<vmem>>
      %dma_start3A_441 = tpu.memref_squeeze %dma_start3A_440 : memref<1x80xi32, #tpu.memory_space<vmem>> -> memref<80xi32, #tpu.memory_space<vmem>>
      %dma_start3A_442 = arith.constant 0 : i32
      %dma_start3A_443 = arith.constant 0 : i32
      %dma_start3A_444 = tpu.memref_slice %arg4[%dma_start3A_442, %dma_start3A_443] : memref<10000x128xf32, #tpu.memory_space<hbm>> -> memref<10000x128xf32, #tpu.memory_space<hbm>>
      tpu.enqueue_indirect_dma source(%dma_start3A_444 : memref<10000x128xf32, #tpu.memory_space<hbm>>) target(%dma_start3A_438 : memref<80x128xf32, #tpu.memory_space<vmem>>) offsets(%dma_start3A_441 : memref<80xi32, #tpu.memory_space<vmem>>) semaphore(%arg14 : memref<!tpu.dma_semaphore, #tpu.memory_space<semaphore_mem>>)
      %add3A_445 = arith.constant 2 : i32
      %add3A_446 = arith.addi %add3A_377, %add3A_445 : i32
      %min3A = arith.constant 124 : i32
      %min3A_447 = arith.minsi %add3A_446, %min3A : i32
      %rem3A_448 = arith.constant 4 : i32
      %rem3A_449 = arith.remsi %min3A_447, %rem3A_448 : i32
      %mul3A_450 = arith.constant 80 : i32
      %mul3A_451 = arith.muli %min3A_447, %mul3A_450 : i32
      %add3A_452 = arith.addi %mul3A_2, %mul3A_451 : i32
      %dma_start3A_453 = arith.constant 0 : i32
      %dma_start3A_454 = tpu.memref_slice %arg8[%rem3A_449, %dma_start3A_453] : memref<4x80xi32, #tpu.memory_space<vmem>> -> memref<1x80xi32, #tpu.memory_space<vmem>>
      %dma_start3A_455 = tpu.memref_squeeze %dma_start3A_454 : memref<1x80xi32, #tpu.memory_space<vmem>> -> memref<80xi32, #tpu.memory_space<vmem>>
      %dma_start3A_456 = tpu.memref_slice %arg2[%add3A_452] : memref<320000xi32, #tpu.memory_space<hbm>> -> memref<80xi32, #tpu.memory_space<hbm>>
      %dma_start3A_457 = arith.constant 0 : i32
      %dma_start3A_458 = tpu.memref_slice %arg8[%rem3A_449, %dma_start3A_457] : memref<4x80xi32, #tpu.memory_space<vmem>> -> memref<1x80xi32, #tpu.memory_space<vmem>>
      %dma_start3A_459 = tpu.memref_squeeze %dma_start3A_458 : memref<1x80xi32, #tpu.memory_space<vmem>> -> memref<80xi32, #tpu.memory_space<vmem>>
      %dma_start3A_460 = tpu.memref_slice %arg2[%add3A_452] : memref<320000xi32, #tpu.memory_space<hbm>> -> memref<80xi32, #tpu.memory_space<hbm>>
      tpu.enqueue_dma source(%dma_start3A_460 : memref<80xi32, #tpu.memory_space<hbm>>) target(%dma_start3A_459 : memref<80xi32, #tpu.memory_space<vmem>>) target_semaphore(%arg11 : memref<!tpu.dma_semaphore, #tpu.memory_space<semaphore_mem>>)
      %mul3A_461 = arith.constant 80 : i32
      %mul3A_462 = arith.muli %min3A_447, %mul3A_461 : i32
      %add3A_463 = arith.addi %mul3A_2, %mul3A_462 : i32
      %dma_start3A_464 = arith.constant 0 : i32
      %dma_start3A_465 = tpu.memref_slice %arg9[%rem3A_449, %dma_start3A_464] : memref<4x80xi32, #tpu.memory_space<vmem>> -> memref<1x80xi32, #tpu.memory_space<vmem>>
      %dma_start3A_466 = tpu.memref_squeeze %dma_start3A_465 : memref<1x80xi32, #tpu.memory_space<vmem>> -> memref<80xi32, #tpu.memory_space<vmem>>
      %dma_start3A_467 = tpu.memref_slice %arg3[%add3A_463] : memref<320000xi32, #tpu.memory_space<hbm>> -> memref<80xi32, #tpu.memory_space<hbm>>
      %dma_start3A_468 = arith.constant 0 : i32
      %dma_start3A_469 = tpu.memref_slice %arg9[%rem3A_449, %dma_start3A_468] : memref<4x80xi32, #tpu.memory_space<vmem>> -> memref<1x80xi32, #tpu.memory_space<vmem>>
      %dma_start3A_470 = tpu.memref_squeeze %dma_start3A_469 : memref<1x80xi32, #tpu.memory_space<vmem>> -> memref<80xi32, #tpu.memory_space<vmem>>
      %dma_start3A_471 = tpu.memref_slice %arg3[%add3A_463] : memref<320000xi32, #tpu.memory_space<hbm>> -> memref<80xi32, #tpu.memory_space<hbm>>
      tpu.enqueue_dma source(%dma_start3A_471 : memref<80xi32, #tpu.memory_space<hbm>>) target(%dma_start3A_470 : memref<80xi32, #tpu.memory_space<vmem>>) target_semaphore(%arg11 : memref<!tpu.dma_semaphore, #tpu.memory_space<semaphore_mem>>)
      %rem3A_472 = arith.constant 4 : i32
      %rem3A_473 = arith.remsi %add3A_377, %rem3A_472 : i32
      %rem3A_474 = arith.constant 3 : i32
      %rem3A_475 = arith.remsi %add3A_377, %rem3A_474 : i32
      %dma_wait3A_476 = arith.constant 0 : i32
      %dma_wait3A_477 = arith.constant 0 : i32
      %dma_wait3A_478 = tpu.memref_slice %arg10[%rem3A_475, %dma_wait3A_476, %dma_wait3A_477] : memref<3x80x128xf32, #tpu.memory_space<vmem>> -> memref<1x80x128xf32, #tpu.memory_space<vmem>>
      %dma_wait3A_479 = tpu.memref_squeeze %dma_wait3A_478 : memref<1x80x128xf32, #tpu.memory_space<vmem>> -> memref<80x128xf32, #tpu.memory_space<vmem>>
      %dma_wait3A_480 = arith.constant 0 : i32
      %dma_wait3A_481 = tpu.memref_slice %arg8[%rem3A_473, %dma_wait3A_480] : memref<4x80xi32, #tpu.memory_space<vmem>> -> memref<1x80xi32, #tpu.memory_space<vmem>>
      %dma_wait3A_482 = tpu.memref_squeeze %dma_wait3A_481 : memref<1x80xi32, #tpu.memory_space<vmem>> -> memref<80xi32, #tpu.memory_space<vmem>>
      %dma_wait3A_483 = arith.constant 0 : i32
      %dma_wait3A_484 = arith.constant 0 : i32
      %dma_wait3A_485 = tpu.memref_slice %arg4[%dma_wait3A_483, %dma_wait3A_484] : memref<10000x128xf32, #tpu.memory_space<hbm>> -> memref<10000x128xf32, #tpu.memory_space<hbm>>
      tpu.wait_indirect_dma semaphore(%arg13 : memref<!tpu.dma_semaphore, #tpu.memory_space<semaphore_mem>>) src(%dma_wait3A_485 : memref<10000x128xf32, #tpu.memory_space<hbm>>) dst(%dma_wait3A_479 : memref<80x128xf32, #tpu.memory_space<vmem>>)
      %mul3A_486 = arith.constant 2 : i32
      %mul3A_487 = arith.muli %scan3A_373, %mul3A_486 : i32
      %add3A_488 = arith.constant 1 : i32
      %add3A_489 = arith.addi %mul3A_487, %add3A_488 : i32
      %sub3A_490 = arith.constant 2 : i32
      %sub3A_491 = arith.subi %add3A_489, %sub3A_490 : i32
      %rem3A_492 = arith.constant 3 : i32
      %rem3A_493 = arith.remsi %sub3A_491, %rem3A_492 : i32
      %rem3A_494 = arith.constant 4 : i32
      %rem3A_495 = arith.remsi %sub3A_491, %rem3A_494 : i32
      %dma_wait3A_496 = arith.constant 0 : i32
      %dma_wait3A_497 = arith.constant 0 : i32
      %dma_wait3A_498 = tpu.memref_slice %arg10[%rem3A_493, %dma_wait3A_496, %dma_wait3A_497] : memref<3x80x128xf32, #tpu.memory_space<vmem>> -> memref<1x80x128xf32, #tpu.memory_space<vmem>>
      %dma_wait3A_499 = tpu.memref_squeeze %dma_wait3A_498 : memref<1x80x128xf32, #tpu.memory_space<vmem>> -> memref<80x128xf32, #tpu.memory_space<vmem>>
      %dma_wait3A_500 = arith.constant 0 : i32
      %dma_wait3A_501 = tpu.memref_slice %arg9[%rem3A_495, %dma_wait3A_500] : memref<4x80xi32, #tpu.memory_space<vmem>> -> memref<1x80xi32, #tpu.memory_space<vmem>>
      %dma_wait3A_502 = tpu.memref_squeeze %dma_wait3A_501 : memref<1x80xi32, #tpu.memory_space<vmem>> -> memref<80xi32, #tpu.memory_space<vmem>>
      %dma_wait3A_503 = arith.constant 0 : i32
      %dma_wait3A_504 = arith.constant 0 : i32
      %dma_wait3A_505 = tpu.memref_slice %arg7[%dma_wait3A_503, %dma_wait3A_504] : memref<10240x128xf32, #tpu.memory_space<vmem_shared>> -> memref<10240x128xf32, #tpu.memory_space<vmem_shared>>
      tpu.wait_indirect_dma semaphore(%arg16 : memref<!tpu.dma_semaphore, #tpu.memory_space<semaphore_mem>>) src(%dma_wait3A_499 : memref<80x128xf32, #tpu.memory_space<vmem>>) dst(%dma_wait3A_505 : memref<10240x128xf32, #tpu.memory_space<vmem_shared>>)
      %sub3A_506 = arith.constant 1 : i32
      %sub3A_507 = arith.subi %add3A_489, %sub3A_506 : i32
      %rem3A_508 = arith.constant 3 : i32
      %rem3A_509 = arith.remsi %sub3A_507, %rem3A_508 : i32
      %rem3A_510 = arith.constant 4 : i32
      %rem3A_511 = arith.remsi %sub3A_507, %rem3A_510 : i32
      %dma_start3A_512 = arith.constant 0 : i32
      %dma_start3A_513 = arith.constant 0 : i32
      %dma_start3A_514 = tpu.memref_slice %arg10[%rem3A_509, %dma_start3A_512, %dma_start3A_513] : memref<3x80x128xf32, #tpu.memory_space<vmem>> -> memref<1x80x128xf32, #tpu.memory_space<vmem>>
      %dma_start3A_515 = tpu.memref_squeeze %dma_start3A_514 : memref<1x80x128xf32, #tpu.memory_space<vmem>> -> memref<80x128xf32, #tpu.memory_space<vmem>>
      %dma_start3A_516 = arith.constant 0 : i32
      %dma_start3A_517 = tpu.memref_slice %arg9[%rem3A_511, %dma_start3A_516] : memref<4x80xi32, #tpu.memory_space<vmem>> -> memref<1x80xi32, #tpu.memory_space<vmem>>
      %dma_start3A_518 = tpu.memref_squeeze %dma_start3A_517 : memref<1x80xi32, #tpu.memory_space<vmem>> -> memref<80xi32, #tpu.memory_space<vmem>>
      %dma_start3A_519 = arith.constant 0 : i32
      %dma_start3A_520 = arith.constant 0 : i32
      %dma_start3A_521 = tpu.memref_slice %arg7[%dma_start3A_519, %dma_start3A_520] : memref<10240x128xf32, #tpu.memory_space<vmem_shared>> -> memref<10240x128xf32, #tpu.memory_space<vmem_shared>>
      tpu.enqueue_indirect_dma source(%dma_start3A_515 : memref<80x128xf32, #tpu.memory_space<vmem>>) target(%dma_start3A_521 : memref<10240x128xf32, #tpu.memory_space<vmem_shared>>) offsets(%dma_start3A_518 : memref<80xi32, #tpu.memory_space<vmem>>) semaphore(%arg15 : memref<!tpu.dma_semaphore, #tpu.memory_space<semaphore_mem>>) {add = true}
      %add3A_522 = arith.constant 1 : i32
      %add3A_523 = arith.addi %add3A_489, %add3A_522 : i32
      %rem3A_524 = arith.constant 4 : i32
      %rem3A_525 = arith.remsi %add3A_523, %rem3A_524 : i32
      %dma_wait3A_526 = arith.constant 0 : i32
      %dma_wait3A_527 = tpu.memref_slice %arg8[%rem3A_525, %dma_wait3A_526] : memref<4x80xi32, #tpu.memory_space<vmem>> -> memref<1x80xi32, #tpu.memory_space<vmem>>
      %dma_wait3A_528 = tpu.memref_squeeze %dma_wait3A_527 : memref<1x80xi32, #tpu.memory_space<vmem>> -> memref<80xi32, #tpu.memory_space<vmem>>
      %dma_wait3A_529 = tpu.memref_slice %arg2[%mul3A_2] : memref<320000xi32, #tpu.memory_space<hbm>> -> memref<80xi32, #tpu.memory_space<hbm>>
      %dma_wait3A_530 = arith.constant 0 : i32
      %dma_wait3A_531 = tpu.memref_slice %arg8[%rem3A_525, %dma_wait3A_530] : memref<4x80xi32, #tpu.memory_space<vmem>> -> memref<1x80xi32, #tpu.memory_space<vmem>>
      %dma_wait3A_532 = tpu.memref_squeeze %dma_wait3A_531 : memref<1x80xi32, #tpu.memory_space<vmem>> -> memref<80xi32, #tpu.memory_space<vmem>>
      %dma_wait3A_533 = tpu.memref_slice %arg2[%mul3A_2] : memref<320000xi32, #tpu.memory_space<hbm>> -> memref<80xi32, #tpu.memory_space<hbm>>
      tpu.wait_dma2 semaphore(%arg11 : memref<!tpu.dma_semaphore, #tpu.memory_space<semaphore_mem>>) src(%dma_wait3A_533 : memref<80xi32, #tpu.memory_space<hbm>>) dst(%dma_wait3A_532 : memref<80xi32, #tpu.memory_space<vmem>>)
      %dma_wait3A_534 = arith.constant 0 : i32
      %dma_wait3A_535 = tpu.memref_slice %arg9[%rem3A_525, %dma_wait3A_534] : memref<4x80xi32, #tpu.memory_space<vmem>> -> memref<1x80xi32, #tpu.memory_space<vmem>>
      %dma_wait3A_536 = tpu.memref_squeeze %dma_wait3A_535 : memref<1x80xi32, #tpu.memory_space<vmem>> -> memref<80xi32, #tpu.memory_space<vmem>>
      %dma_wait3A_537 = tpu.memref_slice %arg3[%mul3A_2] : memref<320000xi32, #tpu.memory_space<hbm>> -> memref<80xi32, #tpu.memory_space<hbm>>
      %dma_wait3A_538 = arith.constant 0 : i32
      %dma_wait3A_539 = tpu.memref_slice %arg9[%rem3A_525, %dma_wait3A_538] : memref<4x80xi32, #tpu.memory_space<vmem>> -> memref<1x80xi32, #tpu.memory_space<vmem>>
      %dma_wait3A_540 = tpu.memref_squeeze %dma_wait3A_539 : memref<1x80xi32, #tpu.memory_space<vmem>> -> memref<80xi32, #tpu.memory_space<vmem>>
      %dma_wait3A_541 = tpu.memref_slice %arg3[%mul3A_2] : memref<320000xi32, #tpu.memory_space<hbm>> -> memref<80xi32, #tpu.memory_space<hbm>>
      tpu.wait_dma2 semaphore(%arg11 : memref<!tpu.dma_semaphore, #tpu.memory_space<semaphore_mem>>) src(%dma_wait3A_541 : memref<80xi32, #tpu.memory_space<hbm>>) dst(%dma_wait3A_540 : memref<80xi32, #tpu.memory_space<vmem>>)
      %add3A_542 = arith.constant 1 : i32
      %add3A_543 = arith.addi %add3A_489, %add3A_542 : i32
      %rem3A_544 = arith.constant 4 : i32
      %rem3A_545 = arith.remsi %add3A_543, %rem3A_544 : i32
      %rem3A_546 = arith.constant 3 : i32
      %rem3A_547 = arith.remsi %add3A_543, %rem3A_546 : i32
      %dma_start3A_548 = arith.constant 0 : i32
      %dma_start3A_549 = arith.constant 0 : i32
      %dma_start3A_550 = tpu.memref_slice %arg10[%rem3A_547, %dma_start3A_548, %dma_start3A_549] : memref<3x80x128xf32, #tpu.memory_space<vmem>> -> memref<1x80x128xf32, #tpu.memory_space<vmem>>
      %dma_start3A_551 = tpu.memref_squeeze %dma_start3A_550 : memref<1x80x128xf32, #tpu.memory_space<vmem>> -> memref<80x128xf32, #tpu.memory_space<vmem>>
      %dma_start3A_552 = arith.constant 0 : i32
      %dma_start3A_553 = tpu.memref_slice %arg8[%rem3A_545, %dma_start3A_552] : memref<4x80xi32, #tpu.memory_space<vmem>> -> memref<1x80xi32, #tpu.memory_space<vmem>>
      %dma_start3A_554 = tpu.memref_squeeze %dma_start3A_553 : memref<1x80xi32, #tpu.memory_space<vmem>> -> memref<80xi32, #tpu.memory_space<vmem>>
      %dma_start3A_555 = arith.constant 0 : i32
      %dma_start3A_556 = arith.constant 0 : i32
      %dma_start3A_557 = tpu.memref_slice %arg4[%dma_start3A_555, %dma_start3A_556] : memref<10000x128xf32, #tpu.memory_space<hbm>> -> memref<10000x128xf32, #tpu.memory_space<hbm>>
      tpu.enqueue_indirect_dma source(%dma_start3A_557 : memref<10000x128xf32, #tpu.memory_space<hbm>>) target(%dma_start3A_551 : memref<80x128xf32, #tpu.memory_space<vmem>>) offsets(%dma_start3A_554 : memref<80xi32, #tpu.memory_space<vmem>>) semaphore(%arg13 : memref<!tpu.dma_semaphore, #tpu.memory_space<semaphore_mem>>)
      %add3A_558 = arith.constant 2 : i32
      %add3A_559 = arith.addi %add3A_489, %add3A_558 : i32
      %min3A_560 = arith.constant 124 : i32
      %min3A_561 = arith.minsi %add3A_559, %min3A_560 : i32
      %rem3A_562 = arith.constant 4 : i32
      %rem3A_563 = arith.remsi %min3A_561, %rem3A_562 : i32
      %mul3A_564 = arith.constant 80 : i32
      %mul3A_565 = arith.muli %min3A_561, %mul3A_564 : i32
      %add3A_566 = arith.addi %mul3A_2, %mul3A_565 : i32
      %dma_start3A_567 = arith.constant 0 : i32
      %dma_start3A_568 = tpu.memref_slice %arg8[%rem3A_563, %dma_start3A_567] : memref<4x80xi32, #tpu.memory_space<vmem>> -> memref<1x80xi32, #tpu.memory_space<vmem>>
      %dma_start3A_569 = tpu.memref_squeeze %dma_start3A_568 : memref<1x80xi32, #tpu.memory_space<vmem>> -> memref<80xi32, #tpu.memory_space<vmem>>
      %dma_start3A_570 = tpu.memref_slice %arg2[%add3A_566] : memref<320000xi32, #tpu.memory_space<hbm>> -> memref<80xi32, #tpu.memory_space<hbm>>
      %dma_start3A_571 = arith.constant 0 : i32
      %dma_start3A_572 = tpu.memref_slice %arg8[%rem3A_563, %dma_start3A_571] : memref<4x80xi32, #tpu.memory_space<vmem>> -> memref<1x80xi32, #tpu.memory_space<vmem>>
      %dma_start3A_573 = tpu.memref_squeeze %dma_start3A_572 : memref<1x80xi32, #tpu.memory_space<vmem>> -> memref<80xi32, #tpu.memory_space<vmem>>
      %dma_start3A_574 = tpu.memref_slice %arg2[%add3A_566] : memref<320000xi32, #tpu.memory_space<hbm>> -> memref<80xi32, #tpu.memory_space<hbm>>
      tpu.enqueue_dma source(%dma_start3A_574 : memref<80xi32, #tpu.memory_space<hbm>>) target(%dma_start3A_573 : memref<80xi32, #tpu.memory_space<vmem>>) target_semaphore(%arg12 : memref<!tpu.dma_semaphore, #tpu.memory_space<semaphore_mem>>)
      %mul3A_575 = arith.constant 80 : i32
      %mul3A_576 = arith.muli %min3A_561, %mul3A_575 : i32
      %add3A_577 = arith.addi %mul3A_2, %mul3A_576 : i32
      %dma_start3A_578 = arith.constant 0 : i32
      %dma_start3A_579 = tpu.memref_slice %arg9[%rem3A_563, %dma_start3A_578] : memref<4x80xi32, #tpu.memory_space<vmem>> -> memref<1x80xi32, #tpu.memory_space<vmem>>
      %dma_start3A_580 = tpu.memref_squeeze %dma_start3A_579 : memref<1x80xi32, #tpu.memory_space<vmem>> -> memref<80xi32, #tpu.memory_space<vmem>>
      %dma_start3A_581 = tpu.memref_slice %arg3[%add3A_577] : memref<320000xi32, #tpu.memory_space<hbm>> -> memref<80xi32, #tpu.memory_space<hbm>>
      %dma_start3A_582 = arith.constant 0 : i32
      %dma_start3A_583 = tpu.memref_slice %arg9[%rem3A_563, %dma_start3A_582] : memref<4x80xi32, #tpu.memory_space<vmem>> -> memref<1x80xi32, #tpu.memory_space<vmem>>
      %dma_start3A_584 = tpu.memref_squeeze %dma_start3A_583 : memref<1x80xi32, #tpu.memory_space<vmem>> -> memref<80xi32, #tpu.memory_space<vmem>>
      %dma_start3A_585 = tpu.memref_slice %arg3[%add3A_577] : memref<320000xi32, #tpu.memory_space<hbm>> -> memref<80xi32, #tpu.memory_space<hbm>>
      tpu.enqueue_dma source(%dma_start3A_585 : memref<80xi32, #tpu.memory_space<hbm>>) target(%dma_start3A_584 : memref<80xi32, #tpu.memory_space<vmem>>) target_semaphore(%arg12 : memref<!tpu.dma_semaphore, #tpu.memory_space<semaphore_mem>>)
      %rem3A_586 = arith.constant 4 : i32
      %rem3A_587 = arith.remsi %add3A_489, %rem3A_586 : i32
      %rem3A_588 = arith.constant 3 : i32
      %rem3A_589 = arith.remsi %add3A_489, %rem3A_588 : i32
      %dma_wait3A_590 = arith.constant 0 : i32
      %dma_wait3A_591 = arith.constant 0 : i32
      %dma_wait3A_592 = tpu.memref_slice %arg10[%rem3A_589, %dma_wait3A_590, %dma_wait3A_591] : memref<3x80x128xf32, #tpu.memory_space<vmem>> -> memref<1x80x128xf32, #tpu.memory_space<vmem>>
      %dma_wait3A_593 = tpu.memref_squeeze %dma_wait3A_592 : memref<1x80x128xf32, #tpu.memory_space<vmem>> -> memref<80x128xf32, #tpu.memory_space<vmem>>
      %dma_wait3A_594 = arith.constant 0 : i32
      %dma_wait3A_595 = tpu.memref_slice %arg8[%rem3A_587, %dma_wait3A_594] : memref<4x80xi32, #tpu.memory_space<vmem>> -> memref<1x80xi32, #tpu.memory_space<vmem>>
      %dma_wait3A_596 = tpu.memref_squeeze %dma_wait3A_595 : memref<1x80xi32, #tpu.memory_space<vmem>> -> memref<80xi32, #tpu.memory_space<vmem>>
      %dma_wait3A_597 = arith.constant 0 : i32
      %dma_wait3A_598 = arith.constant 0 : i32
      %dma_wait3A_599 = tpu.memref_slice %arg4[%dma_wait3A_597, %dma_wait3A_598] : memref<10000x128xf32, #tpu.memory_space<hbm>> -> memref<10000x128xf32, #tpu.memory_space<hbm>>
      tpu.wait_indirect_dma semaphore(%arg14 : memref<!tpu.dma_semaphore, #tpu.memory_space<semaphore_mem>>) src(%dma_wait3A_599 : memref<10000x128xf32, #tpu.memory_space<hbm>>) dst(%dma_wait3A_593 : memref<80x128xf32, #tpu.memory_space<vmem>>)
    }
    %scan3A_252 = arith.constant 61 : i32
    %rem3A_253 = arith.constant 122 : i32
    %rem3A_254 = arith.constant 3 : i32
    %rem3A_255 = arith.remsi %rem3A_253, %rem3A_254 : i32
    %rem3A_256 = arith.constant 122 : i32
    %rem3A_257 = arith.constant 4 : i32
    %rem3A_258 = arith.remsi %rem3A_256, %rem3A_257 : i32
    %dma_wait3A_259 = arith.constant 0 : i32
    %dma_wait3A_260 = arith.constant 0 : i32
    %dma_wait3A_261 = tpu.memref_slice %arg10[%rem3A_255, %dma_wait3A_259, %dma_wait3A_260] : memref<3x80x128xf32, #tpu.memory_space<vmem>> -> memref<1x80x128xf32, #tpu.memory_space<vmem>>
    %dma_wait3A_262 = tpu.memref_squeeze %dma_wait3A_261 : memref<1x80x128xf32, #tpu.memory_space<vmem>> -> memref<80x128xf32, #tpu.memory_space<vmem>>
    %dma_wait3A_263 = arith.constant 0 : i32
    %dma_wait3A_264 = tpu.memref_slice %arg9[%rem3A_258, %dma_wait3A_263] : memref<4x80xi32, #tpu.memory_space<vmem>> -> memref<1x80xi32, #tpu.memory_space<vmem>>
    %dma_wait3A_265 = tpu.memref_squeeze %dma_wait3A_264 : memref<1x80xi32, #tpu.memory_space<vmem>> -> memref<80xi32, #tpu.memory_space<vmem>>
    %dma_wait3A_266 = arith.constant 0 : i32
    %dma_wait3A_267 = arith.constant 0 : i32
    %dma_wait3A_268 = tpu.memref_slice %arg7[%dma_wait3A_266, %dma_wait3A_267] : memref<10240x128xf32, #tpu.memory_space<vmem_shared>> -> memref<10240x128xf32, #tpu.memory_space<vmem_shared>>
    tpu.wait_indirect_dma semaphore(%arg15 : memref<!tpu.dma_semaphore, #tpu.memory_space<semaphore_mem>>) src(%dma_wait3A_262 : memref<80x128xf32, #tpu.memory_space<vmem>>) dst(%dma_wait3A_268 : memref<10240x128xf32, #tpu.memory_space<vmem_shared>>)
    %rem3A_269 = arith.constant 123 : i32
    %rem3A_270 = arith.constant 3 : i32
    %rem3A_271 = arith.remsi %rem3A_269, %rem3A_270 : i32
    %rem3A_272 = arith.constant 123 : i32
    %rem3A_273 = arith.constant 4 : i32
    %rem3A_274 = arith.remsi %rem3A_272, %rem3A_273 : i32
    %dma_start3A_275 = arith.constant 0 : i32
    %dma_start3A_276 = arith.constant 0 : i32
    %dma_start3A_277 = tpu.memref_slice %arg10[%rem3A_271, %dma_start3A_275, %dma_start3A_276] : memref<3x80x128xf32, #tpu.memory_space<vmem>> -> memref<1x80x128xf32, #tpu.memory_space<vmem>>
    %dma_start3A_278 = tpu.memref_squeeze %dma_start3A_277 : memref<1x80x128xf32, #tpu.memory_space<vmem>> -> memref<80x128xf32, #tpu.memory_space<vmem>>
    %dma_start3A_279 = arith.constant 0 : i32
    %dma_start3A_280 = tpu.memref_slice %arg9[%rem3A_274, %dma_start3A_279] : memref<4x80xi32, #tpu.memory_space<vmem>> -> memref<1x80xi32, #tpu.memory_space<vmem>>
    %dma_start3A_281 = tpu.memref_squeeze %dma_start3A_280 : memref<1x80xi32, #tpu.memory_space<vmem>> -> memref<80xi32, #tpu.memory_space<vmem>>
    %dma_start3A_282 = arith.constant 0 : i32
    %dma_start3A_283 = arith.constant 0 : i32
    %dma_start3A_284 = tpu.memref_slice %arg7[%dma_start3A_282, %dma_start3A_283] : memref<10240x128xf32, #tpu.memory_space<vmem_shared>> -> memref<10240x128xf32, #tpu.memory_space<vmem_shared>>
    tpu.enqueue_indirect_dma source(%dma_start3A_278 : memref<80x128xf32, #tpu.memory_space<vmem>>) target(%dma_start3A_284 : memref<10240x128xf32, #tpu.memory_space<vmem_shared>>) offsets(%dma_start3A_281 : memref<80xi32, #tpu.memory_space<vmem>>) semaphore(%arg16 : memref<!tpu.dma_semaphore, #tpu.memory_space<semaphore_mem>>) {add = true}
    %rem3A_285 = arith.constant 124 : i32
    %rem3A_286 = arith.constant 4 : i32
    %rem3A_287 = arith.remsi %rem3A_285, %rem3A_286 : i32
    %rem3A_288 = arith.constant 124 : i32
    %rem3A_289 = arith.constant 3 : i32
    %rem3A_290 = arith.remsi %rem3A_288, %rem3A_289 : i32
    %dma_wait3A_291 = arith.constant 0 : i32
    %dma_wait3A_292 = arith.constant 0 : i32
    %dma_wait3A_293 = tpu.memref_slice %arg10[%rem3A_290, %dma_wait3A_291, %dma_wait3A_292] : memref<3x80x128xf32, #tpu.memory_space<vmem>> -> memref<1x80x128xf32, #tpu.memory_space<vmem>>
    %dma_wait3A_294 = tpu.memref_squeeze %dma_wait3A_293 : memref<1x80x128xf32, #tpu.memory_space<vmem>> -> memref<80x128xf32, #tpu.memory_space<vmem>>
    %dma_wait3A_295 = arith.constant 0 : i32
    %dma_wait3A_296 = tpu.memref_slice %arg8[%rem3A_287, %dma_wait3A_295] : memref<4x80xi32, #tpu.memory_space<vmem>> -> memref<1x80xi32, #tpu.memory_space<vmem>>
    %dma_wait3A_297 = tpu.memref_squeeze %dma_wait3A_296 : memref<1x80xi32, #tpu.memory_space<vmem>> -> memref<80xi32, #tpu.memory_space<vmem>>
    %dma_wait3A_298 = arith.constant 0 : i32
    %dma_wait3A_299 = arith.constant 0 : i32
    %dma_wait3A_300 = tpu.memref_slice %arg4[%dma_wait3A_298, %dma_wait3A_299] : memref<10000x128xf32, #tpu.memory_space<hbm>> -> memref<10000x128xf32, #tpu.memory_space<hbm>>
    tpu.wait_indirect_dma semaphore(%arg13 : memref<!tpu.dma_semaphore, #tpu.memory_space<semaphore_mem>>) src(%dma_wait3A_300 : memref<10000x128xf32, #tpu.memory_space<hbm>>) dst(%dma_wait3A_294 : memref<80x128xf32, #tpu.memory_space<vmem>>)
    %rem3A_301 = arith.constant 124 : i32
    %rem3A_302 = arith.constant 3 : i32
    %rem3A_303 = arith.remsi %rem3A_301, %rem3A_302 : i32
    %rem3A_304 = arith.constant 124 : i32
    %rem3A_305 = arith.constant 4 : i32
    %rem3A_306 = arith.remsi %rem3A_304, %rem3A_305 : i32
    %dma_start3A_307 = arith.constant 0 : i32
    %dma_start3A_308 = arith.constant 0 : i32
    %dma_start3A_309 = tpu.memref_slice %arg10[%rem3A_303, %dma_start3A_307, %dma_start3A_308] : memref<3x80x128xf32, #tpu.memory_space<vmem>> -> memref<1x80x128xf32, #tpu.memory_space<vmem>>
    %dma_start3A_310 = tpu.memref_squeeze %dma_start3A_309 : memref<1x80x128xf32, #tpu.memory_space<vmem>> -> memref<80x128xf32, #tpu.memory_space<vmem>>
    %dma_start3A_311 = arith.constant 0 : i32
    %dma_start3A_312 = tpu.memref_slice %arg9[%rem3A_306, %dma_start3A_311] : memref<4x80xi32, #tpu.memory_space<vmem>> -> memref<1x80xi32, #tpu.memory_space<vmem>>
    %dma_start3A_313 = tpu.memref_squeeze %dma_start3A_312 : memref<1x80xi32, #tpu.memory_space<vmem>> -> memref<80xi32, #tpu.memory_space<vmem>>
    %dma_start3A_314 = arith.constant 0 : i32
    %dma_start3A_315 = arith.constant 0 : i32
    %dma_start3A_316 = tpu.memref_slice %arg7[%dma_start3A_314, %dma_start3A_315] : memref<10240x128xf32, #tpu.memory_space<vmem_shared>> -> memref<10240x128xf32, #tpu.memory_space<vmem_shared>>
    tpu.enqueue_indirect_dma source(%dma_start3A_310 : memref<80x128xf32, #tpu.memory_space<vmem>>) target(%dma_start3A_316 : memref<10240x128xf32, #tpu.memory_space<vmem_shared>>) offsets(%dma_start3A_313 : memref<80xi32, #tpu.memory_space<vmem>>) semaphore(%arg15 : memref<!tpu.dma_semaphore, #tpu.memory_space<semaphore_mem>>) {add = true}
    %rem3A_317 = arith.constant 123 : i32
    %rem3A_318 = arith.constant 3 : i32
    %rem3A_319 = arith.remsi %rem3A_317, %rem3A_318 : i32
    %rem3A_320 = arith.constant 123 : i32
    %rem3A_321 = arith.constant 4 : i32
    %rem3A_322 = arith.remsi %rem3A_320, %rem3A_321 : i32
    %dma_wait3A_323 = arith.constant 0 : i32
    %dma_wait3A_324 = arith.constant 0 : i32
    %dma_wait3A_325 = tpu.memref_slice %arg10[%rem3A_319, %dma_wait3A_323, %dma_wait3A_324] : memref<3x80x128xf32, #tpu.memory_space<vmem>> -> memref<1x80x128xf32, #tpu.memory_space<vmem>>
    %dma_wait3A_326 = tpu.memref_squeeze %dma_wait3A_325 : memref<1x80x128xf32, #tpu.memory_space<vmem>> -> memref<80x128xf32, #tpu.memory_space<vmem>>
    %dma_wait3A_327 = arith.constant 0 : i32
    %dma_wait3A_328 = tpu.memref_slice %arg9[%rem3A_322, %dma_wait3A_327] : memref<4x80xi32, #tpu.memory_space<vmem>> -> memref<1x80xi32, #tpu.memory_space<vmem>>
    %dma_wait3A_329 = tpu.memref_squeeze %dma_wait3A_328 : memref<1x80xi32, #tpu.memory_space<vmem>> -> memref<80xi32, #tpu.memory_space<vmem>>
    %dma_wait3A_330 = arith.constant 0 : i32
    %dma_wait3A_331 = arith.constant 0 : i32
    %dma_wait3A_332 = tpu.memref_slice %arg7[%dma_wait3A_330, %dma_wait3A_331] : memref<10240x128xf32, #tpu.memory_space<vmem_shared>> -> memref<10240x128xf32, #tpu.memory_space<vmem_shared>>
    tpu.wait_indirect_dma semaphore(%arg16 : memref<!tpu.dma_semaphore, #tpu.memory_space<semaphore_mem>>) src(%dma_wait3A_326 : memref<80x128xf32, #tpu.memory_space<vmem>>) dst(%dma_wait3A_332 : memref<10240x128xf32, #tpu.memory_space<vmem_shared>>)
    %rem3A_333 = arith.constant 124 : i32
    %rem3A_334 = arith.constant 3 : i32
    %rem3A_335 = arith.remsi %rem3A_333, %rem3A_334 : i32
    %rem3A_336 = arith.constant 124 : i32
    %rem3A_337 = arith.constant 4 : i32
    %rem3A_338 = arith.remsi %rem3A_336, %rem3A_337 : i32
    %dma_wait3A_339 = arith.constant 0 : i32
    %dma_wait3A_340 = arith.constant 0 : i32
    %dma_wait3A_341 = tpu.memref_slice %arg10[%rem3A_335, %dma_wait3A_339, %dma_wait3A_340] : memref<3x80x128xf32, #tpu.memory_space<vmem>> -> memref<1x80x128xf32, #tpu.memory_space<vmem>>
    %dma_wait3A_342 = tpu.memref_squeeze %dma_wait3A_341 : memref<1x80x128xf32, #tpu.memory_space<vmem>> -> memref<80x128xf32, #tpu.memory_space<vmem>>
    %dma_wait3A_343 = arith.constant 0 : i32
    %dma_wait3A_344 = tpu.memref_slice %arg9[%rem3A_338, %dma_wait3A_343] : memref<4x80xi32, #tpu.memory_space<vmem>> -> memref<1x80xi32, #tpu.memory_space<vmem>>
    %dma_wait3A_345 = tpu.memref_squeeze %dma_wait3A_344 : memref<1x80xi32, #tpu.memory_space<vmem>> -> memref<80xi32, #tpu.memory_space<vmem>>
    %dma_wait3A_346 = arith.constant 0 : i32
    %dma_wait3A_347 = arith.constant 0 : i32
    %dma_wait3A_348 = tpu.memref_slice %arg7[%dma_wait3A_346, %dma_wait3A_347] : memref<10240x128xf32, #tpu.memory_space<vmem_shared>> -> memref<10240x128xf32, #tpu.memory_space<vmem_shared>>
    tpu.wait_indirect_dma semaphore(%arg15 : memref<!tpu.dma_semaphore, #tpu.memory_space<semaphore_mem>>) src(%dma_wait3A_342 : memref<80x128xf32, #tpu.memory_space<vmem>>) dst(%dma_wait3A_348 : memref<10240x128xf32, #tpu.memory_space<vmem_shared>>)
    %rem3A_349 = arith.constant 124 : i32
    %rem3A_350 = arith.constant 4 : i32
    %rem3A_351 = arith.remsi %rem3A_349, %rem3A_350 : i32
    %dma_wait3A_352 = arith.constant 0 : i32
    %dma_wait3A_353 = tpu.memref_slice %arg8[%rem3A_351, %dma_wait3A_352] : memref<4x80xi32, #tpu.memory_space<vmem>> -> memref<1x80xi32, #tpu.memory_space<vmem>>
    %dma_wait3A_354 = tpu.memref_squeeze %dma_wait3A_353 : memref<1x80xi32, #tpu.memory_space<vmem>> -> memref<80xi32, #tpu.memory_space<vmem>>
    %dma_wait3A_355 = tpu.memref_slice %arg2[%mul3A_2] : memref<320000xi32, #tpu.memory_space<hbm>> -> memref<80xi32, #tpu.memory_space<hbm>>
    %dma_wait3A_356 = arith.constant 0 : i32
    %dma_wait3A_357 = tpu.memref_slice %arg8[%rem3A_351, %dma_wait3A_356] : memref<4x80xi32, #tpu.memory_space<vmem>> -> memref<1x80xi32, #tpu.memory_space<vmem>>
    %dma_wait3A_358 = tpu.memref_squeeze %dma_wait3A_357 : memref<1x80xi32, #tpu.memory_space<vmem>> -> memref<80xi32, #tpu.memory_space<vmem>>
    %dma_wait3A_359 = tpu.memref_slice %arg2[%mul3A_2] : memref<320000xi32, #tpu.memory_space<hbm>> -> memref<80xi32, #tpu.memory_space<hbm>>
    tpu.wait_dma2 semaphore(%arg12 : memref<!tpu.dma_semaphore, #tpu.memory_space<semaphore_mem>>) src(%dma_wait3A_359 : memref<80xi32, #tpu.memory_space<hbm>>) dst(%dma_wait3A_358 : memref<80xi32, #tpu.memory_space<vmem>>)
    %dma_wait3A_360 = arith.constant 0 : i32
    %dma_wait3A_361 = tpu.memref_slice %arg9[%rem3A_351, %dma_wait3A_360] : memref<4x80xi32, #tpu.memory_space<vmem>> -> memref<1x80xi32, #tpu.memory_space<vmem>>
    %dma_wait3A_362 = tpu.memref_squeeze %dma_wait3A_361 : memref<1x80xi32, #tpu.memory_space<vmem>> -> memref<80xi32, #tpu.memory_space<vmem>>
    %dma_wait3A_363 = tpu.memref_slice %arg3[%mul3A_2] : memref<320000xi32, #tpu.memory_space<hbm>> -> memref<80xi32, #tpu.memory_space<hbm>>
    %dma_wait3A_364 = arith.constant 0 : i32
    %dma_wait3A_365 = tpu.memref_slice %arg9[%rem3A_351, %dma_wait3A_364] : memref<4x80xi32, #tpu.memory_space<vmem>> -> memref<1x80xi32, #tpu.memory_space<vmem>>
    %dma_wait3A_366 = tpu.memref_squeeze %dma_wait3A_365 : memref<1x80xi32, #tpu.memory_space<vmem>> -> memref<80xi32, #tpu.memory_space<vmem>>
    %dma_wait3A_367 = tpu.memref_slice %arg3[%mul3A_2] : memref<320000xi32, #tpu.memory_space<hbm>> -> memref<80xi32, #tpu.memory_space<hbm>>
    tpu.wait_dma2 semaphore(%arg12 : memref<!tpu.dma_semaphore, #tpu.memory_space<semaphore_mem>>) src(%dma_wait3A_367 : memref<80xi32, #tpu.memory_space<hbm>>) dst(%dma_wait3A_366 : memref<80xi32, #tpu.memory_space<vmem>>)
    %barrier3A_368 = arith.constant 0 : index
    tpu.barrier barrier_id(%barrier3A_368)
    %mul3A_369 = arith.constant 640 : i32
    %mul3A_370 = arith.muli %arg1, %mul3A_369 : i32
    %mul3A_371 = arith.constant 640 : i32
    %mul3A_372 = arith.muli %arg1, %mul3A_371 : i32
    "tpu.region"() ({
      %run_scoped3A = tpu.sem_alloc : memref<!tpu.dma_semaphore, #tpu.memory_space<semaphore_mem>>
      %dma_start3A_373 = arith.constant 0 : i32
      %dma_start3A_374 = tpu.memref_slice %arg6[%arg0, %mul3A_372, %dma_start3A_373] : memref<2x10240x128xf32, #tpu.memory_space<hbm>> -> memref<1x640x128xf32, #tpu.memory_space<hbm>>
      %dma_start3A_375 = tpu.memref_squeeze %dma_start3A_374 : memref<1x640x128xf32, #tpu.memory_space<hbm>> -> memref<640x128xf32, #tpu.memory_space<hbm>>
      %dma_start3A_376 = arith.constant 0 : i32
      %dma_start3A_377 = tpu.memref_slice %arg7[%mul3A_370, %dma_start3A_376] : memref<10240x128xf32, #tpu.memory_space<vmem_shared>> -> memref<640x128xf32, #tpu.memory_space<vmem_shared>>
      tpu.enqueue_dma source(%dma_start3A_377 : memref<640x128xf32, #tpu.memory_space<vmem_shared>>) target(%dma_start3A_375 : memref<640x128xf32, #tpu.memory_space<hbm>>) target_semaphore(%run_scoped3A : memref<!tpu.dma_semaphore, #tpu.memory_space<semaphore_mem>>)
      %dma_wait3A_378 = arith.constant 0 : i32
      %dma_wait3A_379 = tpu.memref_slice %arg6[%arg0, %mul3A_372, %dma_wait3A_378] : memref<2x10240x128xf32, #tpu.memory_space<hbm>> -> memref<1x640x128xf32, #tpu.memory_space<hbm>>
      %dma_wait3A_380 = tpu.memref_squeeze %dma_wait3A_379 : memref<1x640x128xf32, #tpu.memory_space<hbm>> -> memref<640x128xf32, #tpu.memory_space<hbm>>
      %dma_wait3A_381 = arith.constant 0 : i32
      %dma_wait3A_382 = tpu.memref_slice %arg7[%mul3A_370, %dma_wait3A_381] : memref<10240x128xf32, #tpu.memory_space<vmem_shared>> -> memref<640x128xf32, #tpu.memory_space<vmem_shared>>
      tpu.wait_dma2 semaphore(%run_scoped3A : memref<!tpu.dma_semaphore, #tpu.memory_space<semaphore_mem>>) src(%dma_wait3A_382 : memref<640x128xf32, #tpu.memory_space<vmem_shared>>) dst(%dma_wait3A_380 : memref<640x128xf32, #tpu.memory_space<hbm>>)
      tpu.yield
    }) : () -> ()
    return
  }
}

#map = affine_map<(d0, d1) -> (0)>
#map1 = affine_map<(d0, d1) -> (0, 0)>
module attributes {stable_mosaic.version = 14 : i64} {
  func.func @_deg_kernel(%arg0: i32, %arg1: i32, %arg2: memref<320000xi32, #tpu.memory_space<hbm>>, %arg3: memref<80xf32, #tpu.memory_space<hbm>>, %arg4: memref<10240xf32, #tpu.memory_space<hbm>>, %arg5: memref<2x10240xf32, #tpu.memory_space<hbm>>, %arg6: memref<10240xf32, #tpu.memory_space<vmem_shared>>, %arg7: memref<4x80xi32, #tpu.memory_space<vmem>>, %arg8: memref<80xf32, #tpu.memory_space<vmem>>, %arg9: memref<!tpu.dma_semaphore, #tpu.memory_space<semaphore_mem>>, %arg10: memref<!tpu.dma_semaphore, #tpu.memory_space<semaphore_mem>>, %arg11: memref<!tpu.dma_semaphore, #tpu.memory_space<semaphore_mem>>, %arg12: memref<!tpu.dma_semaphore, #tpu.memory_space<semaphore_mem>>) attributes {dimension_semantics = [#tpu.dimension_semantics<core_parallel>, #tpu.dimension_semantics<subcore_parallel>], iteration_bounds = array<i64: 2, 16>, scalar_prefetch = 0 : i64, scratch_operands = 7 : i64, tpu.core_type = #tpu.core_type<sc_vector_subcore>, window_params = [{transform_indices = #map}, {transform_indices = #map}, {transform_indices = #map}, {transform_indices = #map1}]} {
    %mul3A = arith.constant 16 : i32
    %mul3A_0 = arith.muli %arg0, %mul3A : i32
    %add3A = arith.addi %mul3A_0, %arg1 : i32
    "tpu.region"() ({
      %run_scoped3A = tpu.sem_alloc : memref<!tpu.dma_semaphore, #tpu.memory_space<semaphore_mem>>
      tpu.enqueue_dma source(%arg3 : memref<80xf32, #tpu.memory_space<hbm>>) target(%arg8 : memref<80xf32, #tpu.memory_space<vmem>>) target_semaphore(%run_scoped3A : memref<!tpu.dma_semaphore, #tpu.memory_space<semaphore_mem>>)
      tpu.wait_dma2 semaphore(%run_scoped3A : memref<!tpu.dma_semaphore, #tpu.memory_space<semaphore_mem>>) src(%arg3 : memref<80xf32, #tpu.memory_space<hbm>>) dst(%arg8 : memref<80xf32, #tpu.memory_space<vmem>>)
      tpu.yield
    }) : () -> ()
    %mul3A_1 = arith.constant 640 : i32
    %mul3A_2 = arith.muli %arg1, %mul3A_1 : i32
    %mul3A_3 = arith.constant 640 : i32
    %mul3A_4 = arith.muli %arg1, %mul3A_3 : i32
    "tpu.region"() ({
      %run_scoped3A = tpu.sem_alloc : memref<!tpu.dma_semaphore, #tpu.memory_space<semaphore_mem>>
      %dma_start3A_157 = tpu.memref_slice %arg6[%mul3A_4] : memref<10240xf32, #tpu.memory_space<vmem_shared>> -> memref<640xf32, #tpu.memory_space<vmem_shared>>
      %dma_start3A_158 = tpu.memref_slice %arg4[%mul3A_2] : memref<10240xf32, #tpu.memory_space<hbm>> -> memref<640xf32, #tpu.memory_space<hbm>>
      tpu.enqueue_dma source(%dma_start3A_158 : memref<640xf32, #tpu.memory_space<hbm>>) target(%dma_start3A_157 : memref<640xf32, #tpu.memory_space<vmem_shared>>) target_semaphore(%run_scoped3A : memref<!tpu.dma_semaphore, #tpu.memory_space<semaphore_mem>>)
      %dma_wait3A_159 = tpu.memref_slice %arg6[%mul3A_4] : memref<10240xf32, #tpu.memory_space<vmem_shared>> -> memref<640xf32, #tpu.memory_space<vmem_shared>>
      %dma_wait3A_160 = tpu.memref_slice %arg4[%mul3A_2] : memref<10240xf32, #tpu.memory_space<hbm>> -> memref<640xf32, #tpu.memory_space<hbm>>
      tpu.wait_dma2 semaphore(%run_scoped3A : memref<!tpu.dma_semaphore, #tpu.memory_space<semaphore_mem>>) src(%dma_wait3A_160 : memref<640xf32, #tpu.memory_space<hbm>>) dst(%dma_wait3A_159 : memref<640xf32, #tpu.memory_space<vmem_shared>>)
      tpu.yield
    }) : () -> ()
    %mul3A_5 = arith.constant 10000 : i32
    %mul3A_6 = arith.muli %add3A, %mul3A_5 : i32
    %add3A_7 = arith.constant 0 : i32
    %add3A_8 = arith.addi %mul3A_6, %add3A_7 : i32
    %rem3A = arith.constant 0 : i32
    %rem3A_9 = arith.constant 4 : i32
    %rem3A_10 = arith.remsi %rem3A, %rem3A_9 : i32
    %dma_start3A = arith.constant 0 : i32
    %dma_start3A_11 = tpu.memref_slice %arg7[%rem3A_10, %dma_start3A] : memref<4x80xi32, #tpu.memory_space<vmem>> -> memref<1x80xi32, #tpu.memory_space<vmem>>
    %dma_start3A_12 = tpu.memref_squeeze %dma_start3A_11 : memref<1x80xi32, #tpu.memory_space<vmem>> -> memref<80xi32, #tpu.memory_space<vmem>>
    %dma_start3A_13 = tpu.memref_slice %arg2[%add3A_8] : memref<320000xi32, #tpu.memory_space<hbm>> -> memref<80xi32, #tpu.memory_space<hbm>>
    %dma_start3A_14 = arith.constant 0 : i32
    %dma_start3A_15 = tpu.memref_slice %arg7[%rem3A_10, %dma_start3A_14] : memref<4x80xi32, #tpu.memory_space<vmem>> -> memref<1x80xi32, #tpu.memory_space<vmem>>
    %dma_start3A_16 = tpu.memref_squeeze %dma_start3A_15 : memref<1x80xi32, #tpu.memory_space<vmem>> -> memref<80xi32, #tpu.memory_space<vmem>>
    %dma_start3A_17 = tpu.memref_slice %arg2[%add3A_8] : memref<320000xi32, #tpu.memory_space<hbm>> -> memref<80xi32, #tpu.memory_space<hbm>>
    tpu.enqueue_dma source(%dma_start3A_17 : memref<80xi32, #tpu.memory_space<hbm>>) target(%dma_start3A_16 : memref<80xi32, #tpu.memory_space<vmem>>) target_semaphore(%arg9 : memref<!tpu.dma_semaphore, #tpu.memory_space<semaphore_mem>>)
    %add3A_18 = arith.constant 80 : i32
    %add3A_19 = arith.addi %mul3A_6, %add3A_18 : i32
    %rem3A_20 = arith.constant 1 : i32
    %rem3A_21 = arith.constant 4 : i32
    %rem3A_22 = arith.remsi %rem3A_20, %rem3A_21 : i32
    %dma_start3A_23 = arith.constant 0 : i32
    %dma_start3A_24 = tpu.memref_slice %arg7[%rem3A_22, %dma_start3A_23] : memref<4x80xi32, #tpu.memory_space<vmem>> -> memref<1x80xi32, #tpu.memory_space<vmem>>
    %dma_start3A_25 = tpu.memref_squeeze %dma_start3A_24 : memref<1x80xi32, #tpu.memory_space<vmem>> -> memref<80xi32, #tpu.memory_space<vmem>>
    %dma_start3A_26 = tpu.memref_slice %arg2[%add3A_19] : memref<320000xi32, #tpu.memory_space<hbm>> -> memref<80xi32, #tpu.memory_space<hbm>>
    %dma_start3A_27 = arith.constant 0 : i32
    %dma_start3A_28 = tpu.memref_slice %arg7[%rem3A_22, %dma_start3A_27] : memref<4x80xi32, #tpu.memory_space<vmem>> -> memref<1x80xi32, #tpu.memory_space<vmem>>
    %dma_start3A_29 = tpu.memref_squeeze %dma_start3A_28 : memref<1x80xi32, #tpu.memory_space<vmem>> -> memref<80xi32, #tpu.memory_space<vmem>>
    %dma_start3A_30 = tpu.memref_slice %arg2[%add3A_19] : memref<320000xi32, #tpu.memory_space<hbm>> -> memref<80xi32, #tpu.memory_space<hbm>>
    tpu.enqueue_dma source(%dma_start3A_30 : memref<80xi32, #tpu.memory_space<hbm>>) target(%dma_start3A_29 : memref<80xi32, #tpu.memory_space<vmem>>) target_semaphore(%arg10 : memref<!tpu.dma_semaphore, #tpu.memory_space<semaphore_mem>>)
    %barrier3A = arith.constant 0 : index
    tpu.barrier barrier_id(%barrier3A)
    %rem3A_31 = arith.constant 0 : i32
    %rem3A_32 = arith.constant 4 : i32
    %rem3A_33 = arith.remsi %rem3A_31, %rem3A_32 : i32
    %dma_wait3A = arith.constant 0 : i32
    %dma_wait3A_34 = tpu.memref_slice %arg7[%rem3A_33, %dma_wait3A] : memref<4x80xi32, #tpu.memory_space<vmem>> -> memref<1x80xi32, #tpu.memory_space<vmem>>
    %dma_wait3A_35 = tpu.memref_squeeze %dma_wait3A_34 : memref<1x80xi32, #tpu.memory_space<vmem>> -> memref<80xi32, #tpu.memory_space<vmem>>
    %dma_wait3A_36 = tpu.memref_slice %arg2[%mul3A_6] : memref<320000xi32, #tpu.memory_space<hbm>> -> memref<80xi32, #tpu.memory_space<hbm>>
    %dma_wait3A_37 = arith.constant 0 : i32
    %dma_wait3A_38 = tpu.memref_slice %arg7[%rem3A_33, %dma_wait3A_37] : memref<4x80xi32, #tpu.memory_space<vmem>> -> memref<1x80xi32, #tpu.memory_space<vmem>>
    %dma_wait3A_39 = tpu.memref_squeeze %dma_wait3A_38 : memref<1x80xi32, #tpu.memory_space<vmem>> -> memref<80xi32, #tpu.memory_space<vmem>>
    %dma_wait3A_40 = tpu.memref_slice %arg2[%mul3A_6] : memref<320000xi32, #tpu.memory_space<hbm>> -> memref<80xi32, #tpu.memory_space<hbm>>
    tpu.wait_dma2 semaphore(%arg9 : memref<!tpu.dma_semaphore, #tpu.memory_space<semaphore_mem>>) src(%dma_wait3A_40 : memref<80xi32, #tpu.memory_space<hbm>>) dst(%dma_wait3A_39 : memref<80xi32, #tpu.memory_space<vmem>>)
    %rem3A_41 = arith.constant 0 : i32
    %rem3A_42 = arith.constant 4 : i32
    %rem3A_43 = arith.remsi %rem3A_41, %rem3A_42 : i32
    %dma_start3A_44 = arith.constant 0 : i32
    %dma_start3A_45 = tpu.memref_slice %arg7[%rem3A_43, %dma_start3A_44] : memref<4x80xi32, #tpu.memory_space<vmem>> -> memref<1x80xi32, #tpu.memory_space<vmem>>
    %dma_start3A_46 = tpu.memref_squeeze %dma_start3A_45 : memref<1x80xi32, #tpu.memory_space<vmem>> -> memref<80xi32, #tpu.memory_space<vmem>>
    %dma_start3A_47 = arith.constant 0 : i32
    %dma_start3A_48 = tpu.memref_slice %arg6[%dma_start3A_47] : memref<10240xf32, #tpu.memory_space<vmem_shared>> -> memref<10240xf32, #tpu.memory_space<vmem_shared>>
    tpu.enqueue_indirect_dma source(%arg8 : memref<80xf32, #tpu.memory_space<vmem>>) target(%dma_start3A_48 : memref<10240xf32, #tpu.memory_space<vmem_shared>>) offsets(%dma_start3A_46 : memref<80xi32, #tpu.memory_space<vmem>>) semaphore(%arg11 : memref<!tpu.dma_semaphore, #tpu.memory_space<semaphore_mem>>) {add = true}
    %add3A_49 = arith.constant 160 : i32
    %add3A_50 = arith.addi %mul3A_6, %add3A_49 : i32
    %rem3A_51 = arith.constant 2 : i32
    %rem3A_52 = arith.constant 4 : i32
    %rem3A_53 = arith.remsi %rem3A_51, %rem3A_52 : i32
    %dma_start3A_54 = arith.constant 0 : i32
    %dma_start3A_55 = tpu.memref_slice %arg7[%rem3A_53, %dma_start3A_54] : memref<4x80xi32, #tpu.memory_space<vmem>> -> memref<1x80xi32, #tpu.memory_space<vmem>>
    %dma_start3A_56 = tpu.memref_squeeze %dma_start3A_55 : memref<1x80xi32, #tpu.memory_space<vmem>> -> memref<80xi32, #tpu.memory_space<vmem>>
    %dma_start3A_57 = tpu.memref_slice %arg2[%add3A_50] : memref<320000xi32, #tpu.memory_space<hbm>> -> memref<80xi32, #tpu.memory_space<hbm>>
    %dma_start3A_58 = arith.constant 0 : i32
    %dma_start3A_59 = tpu.memref_slice %arg7[%rem3A_53, %dma_start3A_58] : memref<4x80xi32, #tpu.memory_space<vmem>> -> memref<1x80xi32, #tpu.memory_space<vmem>>
    %dma_start3A_60 = tpu.memref_squeeze %dma_start3A_59 : memref<1x80xi32, #tpu.memory_space<vmem>> -> memref<80xi32, #tpu.memory_space<vmem>>
    %dma_start3A_61 = tpu.memref_slice %arg2[%add3A_50] : memref<320000xi32, #tpu.memory_space<hbm>> -> memref<80xi32, #tpu.memory_space<hbm>>
    tpu.enqueue_dma source(%dma_start3A_61 : memref<80xi32, #tpu.memory_space<hbm>>) target(%dma_start3A_60 : memref<80xi32, #tpu.memory_space<vmem>>) target_semaphore(%arg9 : memref<!tpu.dma_semaphore, #tpu.memory_space<semaphore_mem>>)
    %rem3A_62 = arith.constant 1 : i32
    %rem3A_63 = arith.constant 4 : i32
    %rem3A_64 = arith.remsi %rem3A_62, %rem3A_63 : i32
    %dma_wait3A_65 = arith.constant 0 : i32
    %dma_wait3A_66 = tpu.memref_slice %arg7[%rem3A_64, %dma_wait3A_65] : memref<4x80xi32, #tpu.memory_space<vmem>> -> memref<1x80xi32, #tpu.memory_space<vmem>>
    %dma_wait3A_67 = tpu.memref_squeeze %dma_wait3A_66 : memref<1x80xi32, #tpu.memory_space<vmem>> -> memref<80xi32, #tpu.memory_space<vmem>>
    %dma_wait3A_68 = tpu.memref_slice %arg2[%mul3A_6] : memref<320000xi32, #tpu.memory_space<hbm>> -> memref<80xi32, #tpu.memory_space<hbm>>
    %dma_wait3A_69 = arith.constant 0 : i32
    %dma_wait3A_70 = tpu.memref_slice %arg7[%rem3A_64, %dma_wait3A_69] : memref<4x80xi32, #tpu.memory_space<vmem>> -> memref<1x80xi32, #tpu.memory_space<vmem>>
    %dma_wait3A_71 = tpu.memref_squeeze %dma_wait3A_70 : memref<1x80xi32, #tpu.memory_space<vmem>> -> memref<80xi32, #tpu.memory_space<vmem>>
    %dma_wait3A_72 = tpu.memref_slice %arg2[%mul3A_6] : memref<320000xi32, #tpu.memory_space<hbm>> -> memref<80xi32, #tpu.memory_space<hbm>>
    tpu.wait_dma2 semaphore(%arg10 : memref<!tpu.dma_semaphore, #tpu.memory_space<semaphore_mem>>) src(%dma_wait3A_72 : memref<80xi32, #tpu.memory_space<hbm>>) dst(%dma_wait3A_71 : memref<80xi32, #tpu.memory_space<vmem>>)
    %rem3A_73 = arith.constant 1 : i32
    %rem3A_74 = arith.constant 4 : i32
    %rem3A_75 = arith.remsi %rem3A_73, %rem3A_74 : i32
    %dma_start3A_76 = arith.constant 0 : i32
    %dma_start3A_77 = tpu.memref_slice %arg7[%rem3A_75, %dma_start3A_76] : memref<4x80xi32, #tpu.memory_space<vmem>> -> memref<1x80xi32, #tpu.memory_space<vmem>>
    %dma_start3A_78 = tpu.memref_squeeze %dma_start3A_77 : memref<1x80xi32, #tpu.memory_space<vmem>> -> memref<80xi32, #tpu.memory_space<vmem>>
    %dma_start3A_79 = arith.constant 0 : i32
    %dma_start3A_80 = tpu.memref_slice %arg6[%dma_start3A_79] : memref<10240xf32, #tpu.memory_space<vmem_shared>> -> memref<10240xf32, #tpu.memory_space<vmem_shared>>
    tpu.enqueue_indirect_dma source(%arg8 : memref<80xf32, #tpu.memory_space<vmem>>) target(%dma_start3A_80 : memref<10240xf32, #tpu.memory_space<vmem_shared>>) offsets(%dma_start3A_78 : memref<80xi32, #tpu.memory_space<vmem>>) semaphore(%arg12 : memref<!tpu.dma_semaphore, #tpu.memory_space<semaphore_mem>>) {add = true}
    %add3A_81 = arith.constant 240 : i32
    %add3A_82 = arith.addi %mul3A_6, %add3A_81 : i32
    %rem3A_83 = arith.constant 3 : i32
    %rem3A_84 = arith.constant 4 : i32
    %rem3A_85 = arith.remsi %rem3A_83, %rem3A_84 : i32
    %dma_start3A_86 = arith.constant 0 : i32
    %dma_start3A_87 = tpu.memref_slice %arg7[%rem3A_85, %dma_start3A_86] : memref<4x80xi32, #tpu.memory_space<vmem>> -> memref<1x80xi32, #tpu.memory_space<vmem>>
    %dma_start3A_88 = tpu.memref_squeeze %dma_start3A_87 : memref<1x80xi32, #tpu.memory_space<vmem>> -> memref<80xi32, #tpu.memory_space<vmem>>
    %dma_start3A_89 = tpu.memref_slice %arg2[%add3A_82] : memref<320000xi32, #tpu.memory_space<hbm>> -> memref<80xi32, #tpu.memory_space<hbm>>
    %dma_start3A_90 = arith.constant 0 : i32
    %dma_start3A_91 = tpu.memref_slice %arg7[%rem3A_85, %dma_start3A_90] : memref<4x80xi32, #tpu.memory_space<vmem>> -> memref<1x80xi32, #tpu.memory_space<vmem>>
    %dma_start3A_92 = tpu.memref_squeeze %dma_start3A_91 : memref<1x80xi32, #tpu.memory_space<vmem>> -> memref<80xi32, #tpu.memory_space<vmem>>
    %dma_start3A_93 = tpu.memref_slice %arg2[%add3A_82] : memref<320000xi32, #tpu.memory_space<hbm>> -> memref<80xi32, #tpu.memory_space<hbm>>
    tpu.enqueue_dma source(%dma_start3A_93 : memref<80xi32, #tpu.memory_space<hbm>>) target(%dma_start3A_92 : memref<80xi32, #tpu.memory_space<vmem>>) target_semaphore(%arg10 : memref<!tpu.dma_semaphore, #tpu.memory_space<semaphore_mem>>)
    %scan3A = arith.constant 1 : i32
    %scan3A_94 = arith.constant 61 : i32
    %scan3A_95 = arith.addi %scan3A, %scan3A_94 : i32
    %scan3A_96 = arith.constant 1 : i32
    scf.for %scan3A_157 = %scan3A to %scan3A_95 step %scan3A_96  : i32 {
      %mul3A_158 = arith.constant 2 : i32
      %mul3A_159 = arith.muli %scan3A_157, %mul3A_158 : i32
      %add3A_160 = arith.constant 0 : i32
      %add3A_161 = arith.addi %mul3A_159, %add3A_160 : i32
      %add3A_162 = arith.constant 2 : i32
      %add3A_163 = arith.addi %add3A_161, %add3A_162 : i32
      %min3A = arith.constant 124 : i32
      %min3A_164 = arith.minsi %add3A_163, %min3A : i32
      %sub3A = arith.constant 2 : i32
      %sub3A_165 = arith.subi %add3A_161, %sub3A : i32
      %rem3A_166 = arith.constant 4 : i32
      %rem3A_167 = arith.remsi %sub3A_165, %rem3A_166 : i32
      %dma_wait3A_168 = arith.constant 0 : i32
      %dma_wait3A_169 = tpu.memref_slice %arg7[%rem3A_167, %dma_wait3A_168] : memref<4x80xi32, #tpu.memory_space<vmem>> -> memref<1x80xi32, #tpu.memory_space<vmem>>
      %dma_wait3A_170 = tpu.memref_squeeze %dma_wait3A_169 : memref<1x80xi32, #tpu.memory_space<vmem>> -> memref<80xi32, #tpu.memory_space<vmem>>
      %dma_wait3A_171 = arith.constant 0 : i32
      %dma_wait3A_172 = tpu.memref_slice %arg6[%dma_wait3A_171] : memref<10240xf32, #tpu.memory_space<vmem_shared>> -> memref<10240xf32, #tpu.memory_space<vmem_shared>>
      tpu.wait_indirect_dma semaphore(%arg11 : memref<!tpu.dma_semaphore, #tpu.memory_space<semaphore_mem>>) src(%arg8 : memref<80xf32, #tpu.memory_space<vmem>>) dst(%dma_wait3A_172 : memref<10240xf32, #tpu.memory_space<vmem_shared>>)
      %rem3A_173 = arith.constant 4 : i32
      %rem3A_174 = arith.remsi %add3A_161, %rem3A_173 : i32
      %dma_wait3A_175 = arith.constant 0 : i32
      %dma_wait3A_176 = tpu.memref_slice %arg7[%rem3A_174, %dma_wait3A_175] : memref<4x80xi32, #tpu.memory_space<vmem>> -> memref<1x80xi32, #tpu.memory_space<vmem>>
      %dma_wait3A_177 = tpu.memref_squeeze %dma_wait3A_176 : memref<1x80xi32, #tpu.memory_space<vmem>> -> memref<80xi32, #tpu.memory_space<vmem>>
      %dma_wait3A_178 = tpu.memref_slice %arg2[%mul3A_6] : memref<320000xi32, #tpu.memory_space<hbm>> -> memref<80xi32, #tpu.memory_space<hbm>>
      %dma_wait3A_179 = arith.constant 0 : i32
      %dma_wait3A_180 = tpu.memref_slice %arg7[%rem3A_174, %dma_wait3A_179] : memref<4x80xi32, #tpu.memory_space<vmem>> -> memref<1x80xi32, #tpu.memory_space<vmem>>
      %dma_wait3A_181 = tpu.memref_squeeze %dma_wait3A_180 : memref<1x80xi32, #tpu.memory_space<vmem>> -> memref<80xi32, #tpu.memory_space<vmem>>
      %dma_wait3A_182 = tpu.memref_slice %arg2[%mul3A_6] : memref<320000xi32, #tpu.memory_space<hbm>> -> memref<80xi32, #tpu.memory_space<hbm>>
      tpu.wait_dma2 semaphore(%arg9 : memref<!tpu.dma_semaphore, #tpu.memory_space<semaphore_mem>>) src(%dma_wait3A_182 : memref<80xi32, #tpu.memory_space<hbm>>) dst(%dma_wait3A_181 : memref<80xi32, #tpu.memory_space<vmem>>)
      %rem3A_183 = arith.constant 4 : i32
      %rem3A_184 = arith.remsi %add3A_161, %rem3A_183 : i32
      %dma_start3A_185 = arith.constant 0 : i32
      %dma_start3A_186 = tpu.memref_slice %arg7[%rem3A_184, %dma_start3A_185] : memref<4x80xi32, #tpu.memory_space<vmem>> -> memref<1x80xi32, #tpu.memory_space<vmem>>
      %dma_start3A_187 = tpu.memref_squeeze %dma_start3A_186 : memref<1x80xi32, #tpu.memory_space<vmem>> -> memref<80xi32, #tpu.memory_space<vmem>>
      %dma_start3A_188 = arith.constant 0 : i32
      %dma_start3A_189 = tpu.memref_slice %arg6[%dma_start3A_188] : memref<10240xf32, #tpu.memory_space<vmem_shared>> -> memref<10240xf32, #tpu.memory_space<vmem_shared>>
      tpu.enqueue_indirect_dma source(%arg8 : memref<80xf32, #tpu.memory_space<vmem>>) target(%dma_start3A_189 : memref<10240xf32, #tpu.memory_space<vmem_shared>>) offsets(%dma_start3A_187 : memref<80xi32, #tpu.memory_space<vmem>>) semaphore(%arg11 : memref<!tpu.dma_semaphore, #tpu.memory_space<semaphore_mem>>) {add = true}
      %mul3A_190 = arith.constant 80 : i32
      %mul3A_191 = arith.muli %min3A_164, %mul3A_190 : i32
      %add3A_192 = arith.addi %mul3A_6, %mul3A_191 : i32
      %rem3A_193 = arith.constant 4 : i32
      %rem3A_194 = arith.remsi %min3A_164, %rem3A_193 : i32
      %dma_start3A_195 = arith.constant 0 : i32
      %dma_start3A_196 = tpu.memref_slice %arg7[%rem3A_194, %dma_start3A_195] : memref<4x80xi32, #tpu.memory_space<vmem>> -> memref<1x80xi32, #tpu.memory_space<vmem>>
      %dma_start3A_197 = tpu.memref_squeeze %dma_start3A_196 : memref<1x80xi32, #tpu.memory_space<vmem>> -> memref<80xi32, #tpu.memory_space<vmem>>
      %dma_start3A_198 = tpu.memref_slice %arg2[%add3A_192] : memref<320000xi32, #tpu.memory_space<hbm>> -> memref<80xi32, #tpu.memory_space<hbm>>
      %dma_start3A_199 = arith.constant 0 : i32
      %dma_start3A_200 = tpu.memref_slice %arg7[%rem3A_194, %dma_start3A_199] : memref<4x80xi32, #tpu.memory_space<vmem>> -> memref<1x80xi32, #tpu.memory_space<vmem>>
      %dma_start3A_201 = tpu.memref_squeeze %dma_start3A_200 : memref<1x80xi32, #tpu.memory_space<vmem>> -> memref<80xi32, #tpu.memory_space<vmem>>
      %dma_start3A_202 = tpu.memref_slice %arg2[%add3A_192] : memref<320000xi32, #tpu.memory_space<hbm>> -> memref<80xi32, #tpu.memory_space<hbm>>
      tpu.enqueue_dma source(%dma_start3A_202 : memref<80xi32, #tpu.memory_space<hbm>>) target(%dma_start3A_201 : memref<80xi32, #tpu.memory_space<vmem>>) target_semaphore(%arg9 : memref<!tpu.dma_semaphore, #tpu.memory_space<semaphore_mem>>)
      %mul3A_203 = arith.constant 2 : i32
      %mul3A_204 = arith.muli %scan3A_157, %mul3A_203 : i32
      %add3A_205 = arith.constant 1 : i32
      %add3A_206 = arith.addi %mul3A_204, %add3A_205 : i32
      %add3A_207 = arith.constant 2 : i32
      %add3A_208 = arith.addi %add3A_206, %add3A_207 : i32
      %min3A_209 = arith.constant 124 : i32
      %min3A_210 = arith.minsi %add3A_208, %min3A_209 : i32
      %sub3A_211 = arith.constant 2 : i32
      %sub3A_212 = arith.subi %add3A_206, %sub3A_211 : i32
      %rem3A_213 = arith.constant 4 : i32
      %rem3A_214 = arith.remsi %sub3A_212, %rem3A_213 : i32
      %dma_wait3A_215 = arith.constant 0 : i32
      %dma_wait3A_216 = tpu.memref_slice %arg7[%rem3A_214, %dma_wait3A_215] : memref<4x80xi32, #tpu.memory_space<vmem>> -> memref<1x80xi32, #tpu.memory_space<vmem>>
      %dma_wait3A_217 = tpu.memref_squeeze %dma_wait3A_216 : memref<1x80xi32, #tpu.memory_space<vmem>> -> memref<80xi32, #tpu.memory_space<vmem>>
      %dma_wait3A_218 = arith.constant 0 : i32
      %dma_wait3A_219 = tpu.memref_slice %arg6[%dma_wait3A_218] : memref<10240xf32, #tpu.memory_space<vmem_shared>> -> memref<10240xf32, #tpu.memory_space<vmem_shared>>
      tpu.wait_indirect_dma semaphore(%arg12 : memref<!tpu.dma_semaphore, #tpu.memory_space<semaphore_mem>>) src(%arg8 : memref<80xf32, #tpu.memory_space<vmem>>) dst(%dma_wait3A_219 : memref<10240xf32, #tpu.memory_space<vmem_shared>>)
      %rem3A_220 = arith.constant 4 : i32
      %rem3A_221 = arith.remsi %add3A_206, %rem3A_220 : i32
      %dma_wait3A_222 = arith.constant 0 : i32
      %dma_wait3A_223 = tpu.memref_slice %arg7[%rem3A_221, %dma_wait3A_222] : memref<4x80xi32, #tpu.memory_space<vmem>> -> memref<1x80xi32, #tpu.memory_space<vmem>>
      %dma_wait3A_224 = tpu.memref_squeeze %dma_wait3A_223 : memref<1x80xi32, #tpu.memory_space<vmem>> -> memref<80xi32, #tpu.memory_space<vmem>>
      %dma_wait3A_225 = tpu.memref_slice %arg2[%mul3A_6] : memref<320000xi32, #tpu.memory_space<hbm>> -> memref<80xi32, #tpu.memory_space<hbm>>
      %dma_wait3A_226 = arith.constant 0 : i32
      %dma_wait3A_227 = tpu.memref_slice %arg7[%rem3A_221, %dma_wait3A_226] : memref<4x80xi32, #tpu.memory_space<vmem>> -> memref<1x80xi32, #tpu.memory_space<vmem>>
      %dma_wait3A_228 = tpu.memref_squeeze %dma_wait3A_227 : memref<1x80xi32, #tpu.memory_space<vmem>> -> memref<80xi32, #tpu.memory_space<vmem>>
      %dma_wait3A_229 = tpu.memref_slice %arg2[%mul3A_6] : memref<320000xi32, #tpu.memory_space<hbm>> -> memref<80xi32, #tpu.memory_space<hbm>>
      tpu.wait_dma2 semaphore(%arg10 : memref<!tpu.dma_semaphore, #tpu.memory_space<semaphore_mem>>) src(%dma_wait3A_229 : memref<80xi32, #tpu.memory_space<hbm>>) dst(%dma_wait3A_228 : memref<80xi32, #tpu.memory_space<vmem>>)
      %rem3A_230 = arith.constant 4 : i32
      %rem3A_231 = arith.remsi %add3A_206, %rem3A_230 : i32
      %dma_start3A_232 = arith.constant 0 : i32
      %dma_start3A_233 = tpu.memref_slice %arg7[%rem3A_231, %dma_start3A_232] : memref<4x80xi32, #tpu.memory_space<vmem>> -> memref<1x80xi32, #tpu.memory_space<vmem>>
      %dma_start3A_234 = tpu.memref_squeeze %dma_start3A_233 : memref<1x80xi32, #tpu.memory_space<vmem>> -> memref<80xi32, #tpu.memory_space<vmem>>
      %dma_start3A_235 = arith.constant 0 : i32
      %dma_start3A_236 = tpu.memref_slice %arg6[%dma_start3A_235] : memref<10240xf32, #tpu.memory_space<vmem_shared>> -> memref<10240xf32, #tpu.memory_space<vmem_shared>>
      tpu.enqueue_indirect_dma source(%arg8 : memref<80xf32, #tpu.memory_space<vmem>>) target(%dma_start3A_236 : memref<10240xf32, #tpu.memory_space<vmem_shared>>) offsets(%dma_start3A_234 : memref<80xi32, #tpu.memory_space<vmem>>) semaphore(%arg12 : memref<!tpu.dma_semaphore, #tpu.memory_space<semaphore_mem>>) {add = true}
      %mul3A_237 = arith.constant 80 : i32
      %mul3A_238 = arith.muli %min3A_210, %mul3A_237 : i32
      %add3A_239 = arith.addi %mul3A_6, %mul3A_238 : i32
      %rem3A_240 = arith.constant 4 : i32
      %rem3A_241 = arith.remsi %min3A_210, %rem3A_240 : i32
      %dma_start3A_242 = arith.constant 0 : i32
      %dma_start3A_243 = tpu.memref_slice %arg7[%rem3A_241, %dma_start3A_242] : memref<4x80xi32, #tpu.memory_space<vmem>> -> memref<1x80xi32, #tpu.memory_space<vmem>>
      %dma_start3A_244 = tpu.memref_squeeze %dma_start3A_243 : memref<1x80xi32, #tpu.memory_space<vmem>> -> memref<80xi32, #tpu.memory_space<vmem>>
      %dma_start3A_245 = tpu.memref_slice %arg2[%add3A_239] : memref<320000xi32, #tpu.memory_space<hbm>> -> memref<80xi32, #tpu.memory_space<hbm>>
      %dma_start3A_246 = arith.constant 0 : i32
      %dma_start3A_247 = tpu.memref_slice %arg7[%rem3A_241, %dma_start3A_246] : memref<4x80xi32, #tpu.memory_space<vmem>> -> memref<1x80xi32, #tpu.memory_space<vmem>>
      %dma_start3A_248 = tpu.memref_squeeze %dma_start3A_247 : memref<1x80xi32, #tpu.memory_space<vmem>> -> memref<80xi32, #tpu.memory_space<vmem>>
      %dma_start3A_249 = tpu.memref_slice %arg2[%add3A_239] : memref<320000xi32, #tpu.memory_space<hbm>> -> memref<80xi32, #tpu.memory_space<hbm>>
      tpu.enqueue_dma source(%dma_start3A_249 : memref<80xi32, #tpu.memory_space<hbm>>) target(%dma_start3A_248 : memref<80xi32, #tpu.memory_space<vmem>>) target_semaphore(%arg10 : memref<!tpu.dma_semaphore, #tpu.memory_space<semaphore_mem>>)
    }
    %scan3A_97 = arith.constant 61 : i32
    %rem3A_98 = arith.constant 122 : i32
    %rem3A_99 = arith.constant 4 : i32
    %rem3A_100 = arith.remsi %rem3A_98, %rem3A_99 : i32
    %dma_wait3A_101 = arith.constant 0 : i32
    %dma_wait3A_102 = tpu.memref_slice %arg7[%rem3A_100, %dma_wait3A_101] : memref<4x80xi32, #tpu.memory_space<vmem>> -> memref<1x80xi32, #tpu.memory_space<vmem>>
    %dma_wait3A_103 = tpu.memref_squeeze %dma_wait3A_102 : memref<1x80xi32, #tpu.memory_space<vmem>> -> memref<80xi32, #tpu.memory_space<vmem>>
    %dma_wait3A_104 = arith.constant 0 : i32
    %dma_wait3A_105 = tpu.memref_slice %arg6[%dma_wait3A_104] : memref<10240xf32, #tpu.memory_space<vmem_shared>> -> memref<10240xf32, #tpu.memory_space<vmem_shared>>
    tpu.wait_indirect_dma semaphore(%arg11 : memref<!tpu.dma_semaphore, #tpu.memory_space<semaphore_mem>>) src(%arg8 : memref<80xf32, #tpu.memory_space<vmem>>) dst(%dma_wait3A_105 : memref<10240xf32, #tpu.memory_space<vmem_shared>>)
    %rem3A_106 = arith.constant 124 : i32
    %rem3A_107 = arith.constant 4 : i32
    %rem3A_108 = arith.remsi %rem3A_106, %rem3A_107 : i32
    %dma_wait3A_109 = arith.constant 0 : i32
    %dma_wait3A_110 = tpu.memref_slice %arg7[%rem3A_108, %dma_wait3A_109] : memref<4x80xi32, #tpu.memory_space<vmem>> -> memref<1x80xi32, #tpu.memory_space<vmem>>
    %dma_wait3A_111 = tpu.memref_squeeze %dma_wait3A_110 : memref<1x80xi32, #tpu.memory_space<vmem>> -> memref<80xi32, #tpu.memory_space<vmem>>
    %dma_wait3A_112 = tpu.memref_slice %arg2[%mul3A_6] : memref<320000xi32, #tpu.memory_space<hbm>> -> memref<80xi32, #tpu.memory_space<hbm>>
    %dma_wait3A_113 = arith.constant 0 : i32
    %dma_wait3A_114 = tpu.memref_slice %arg7[%rem3A_108, %dma_wait3A_113] : memref<4x80xi32, #tpu.memory_space<vmem>> -> memref<1x80xi32, #tpu.memory_space<vmem>>
    %dma_wait3A_115 = tpu.memref_squeeze %dma_wait3A_114 : memref<1x80xi32, #tpu.memory_space<vmem>> -> memref<80xi32, #tpu.memory_space<vmem>>
    %dma_wait3A_116 = tpu.memref_slice %arg2[%mul3A_6] : memref<320000xi32, #tpu.memory_space<hbm>> -> memref<80xi32, #tpu.memory_space<hbm>>
    tpu.wait_dma2 semaphore(%arg9 : memref<!tpu.dma_semaphore, #tpu.memory_space<semaphore_mem>>) src(%dma_wait3A_116 : memref<80xi32, #tpu.memory_space<hbm>>) dst(%dma_wait3A_115 : memref<80xi32, #tpu.memory_space<vmem>>)
    %rem3A_117 = arith.constant 124 : i32
    %rem3A_118 = arith.constant 4 : i32
    %rem3A_119 = arith.remsi %rem3A_117, %rem3A_118 : i32
    %dma_start3A_120 = arith.constant 0 : i32
    %dma_start3A_121 = tpu.memref_slice %arg7[%rem3A_119, %dma_start3A_120] : memref<4x80xi32, #tpu.memory_space<vmem>> -> memref<1x80xi32, #tpu.memory_space<vmem>>
    %dma_start3A_122 = tpu.memref_squeeze %dma_start3A_121 : memref<1x80xi32, #tpu.memory_space<vmem>> -> memref<80xi32, #tpu.memory_space<vmem>>
    %dma_start3A_123 = arith.constant 0 : i32
    %dma_start3A_124 = tpu.memref_slice %arg6[%dma_start3A_123] : memref<10240xf32, #tpu.memory_space<vmem_shared>> -> memref<10240xf32, #tpu.memory_space<vmem_shared>>
    tpu.enqueue_indirect_dma source(%arg8 : memref<80xf32, #tpu.memory_space<vmem>>) target(%dma_start3A_124 : memref<10240xf32, #tpu.memory_space<vmem_shared>>) offsets(%dma_start3A_122 : memref<80xi32, #tpu.memory_space<vmem>>) semaphore(%arg11 : memref<!tpu.dma_semaphore, #tpu.memory_space<semaphore_mem>>) {add = true}
    %rem3A_125 = arith.constant 123 : i32
    %rem3A_126 = arith.constant 4 : i32
    %rem3A_127 = arith.remsi %rem3A_125, %rem3A_126 : i32
    %dma_wait3A_128 = arith.constant 0 : i32
    %dma_wait3A_129 = tpu.memref_slice %arg7[%rem3A_127, %dma_wait3A_128] : memref<4x80xi32, #tpu.memory_space<vmem>> -> memref<1x80xi32, #tpu.memory_space<vmem>>
    %dma_wait3A_130 = tpu.memref_squeeze %dma_wait3A_129 : memref<1x80xi32, #tpu.memory_space<vmem>> -> memref<80xi32, #tpu.memory_space<vmem>>
    %dma_wait3A_131 = arith.constant 0 : i32
    %dma_wait3A_132 = tpu.memref_slice %arg6[%dma_wait3A_131] : memref<10240xf32, #tpu.memory_space<vmem_shared>> -> memref<10240xf32, #tpu.memory_space<vmem_shared>>
    tpu.wait_indirect_dma semaphore(%arg12 : memref<!tpu.dma_semaphore, #tpu.memory_space<semaphore_mem>>) src(%arg8 : memref<80xf32, #tpu.memory_space<vmem>>) dst(%dma_wait3A_132 : memref<10240xf32, #tpu.memory_space<vmem_shared>>)
    %rem3A_133 = arith.constant 124 : i32
    %rem3A_134 = arith.constant 4 : i32
    %rem3A_135 = arith.remsi %rem3A_133, %rem3A_134 : i32
    %dma_wait3A_136 = arith.constant 0 : i32
    %dma_wait3A_137 = tpu.memref_slice %arg7[%rem3A_135, %dma_wait3A_136] : memref<4x80xi32, #tpu.memory_space<vmem>> -> memref<1x80xi32, #tpu.memory_space<vmem>>
    %dma_wait3A_138 = tpu.memref_squeeze %dma_wait3A_137 : memref<1x80xi32, #tpu.memory_space<vmem>> -> memref<80xi32, #tpu.memory_space<vmem>>
    %dma_wait3A_139 = arith.constant 0 : i32
    %dma_wait3A_140 = tpu.memref_slice %arg6[%dma_wait3A_139] : memref<10240xf32, #tpu.memory_space<vmem_shared>> -> memref<10240xf32, #tpu.memory_space<vmem_shared>>
    tpu.wait_indirect_dma semaphore(%arg11 : memref<!tpu.dma_semaphore, #tpu.memory_space<semaphore_mem>>) src(%arg8 : memref<80xf32, #tpu.memory_space<vmem>>) dst(%dma_wait3A_140 : memref<10240xf32, #tpu.memory_space<vmem_shared>>)
    %rem3A_141 = arith.constant 124 : i32
    %rem3A_142 = arith.constant 4 : i32
    %rem3A_143 = arith.remsi %rem3A_141, %rem3A_142 : i32
    %dma_wait3A_144 = arith.constant 0 : i32
    %dma_wait3A_145 = tpu.memref_slice %arg7[%rem3A_143, %dma_wait3A_144] : memref<4x80xi32, #tpu.memory_space<vmem>> -> memref<1x80xi32, #tpu.memory_space<vmem>>
    %dma_wait3A_146 = tpu.memref_squeeze %dma_wait3A_145 : memref<1x80xi32, #tpu.memory_space<vmem>> -> memref<80xi32, #tpu.memory_space<vmem>>
    %dma_wait3A_147 = tpu.memref_slice %arg2[%mul3A_6] : memref<320000xi32, #tpu.memory_space<hbm>> -> memref<80xi32, #tpu.memory_space<hbm>>
    %dma_wait3A_148 = arith.constant 0 : i32
    %dma_wait3A_149 = tpu.memref_slice %arg7[%rem3A_143, %dma_wait3A_148] : memref<4x80xi32, #tpu.memory_space<vmem>> -> memref<1x80xi32, #tpu.memory_space<vmem>>
    %dma_wait3A_150 = tpu.memref_squeeze %dma_wait3A_149 : memref<1x80xi32, #tpu.memory_space<vmem>> -> memref<80xi32, #tpu.memory_space<vmem>>
    %dma_wait3A_151 = tpu.memref_slice %arg2[%mul3A_6] : memref<320000xi32, #tpu.memory_space<hbm>> -> memref<80xi32, #tpu.memory_space<hbm>>
    tpu.wait_dma2 semaphore(%arg10 : memref<!tpu.dma_semaphore, #tpu.memory_space<semaphore_mem>>) src(%dma_wait3A_151 : memref<80xi32, #tpu.memory_space<hbm>>) dst(%dma_wait3A_150 : memref<80xi32, #tpu.memory_space<vmem>>)
    %barrier3A_152 = arith.constant 0 : index
    tpu.barrier barrier_id(%barrier3A_152)
    %mul3A_153 = arith.constant 640 : i32
    %mul3A_154 = arith.muli %arg1, %mul3A_153 : i32
    %mul3A_155 = arith.constant 640 : i32
    %mul3A_156 = arith.muli %arg1, %mul3A_155 : i32
    "tpu.region"() ({
      %run_scoped3A = tpu.sem_alloc : memref<!tpu.dma_semaphore, #tpu.memory_space<semaphore_mem>>
      %dma_start3A_157 = tpu.memref_slice %arg5[%arg0, %mul3A_156] : memref<2x10240xf32, #tpu.memory_space<hbm>> -> memref<1x640xf32, #tpu.memory_space<hbm>>
      %dma_start3A_158 = tpu.memref_squeeze %dma_start3A_157 : memref<1x640xf32, #tpu.memory_space<hbm>> -> memref<640xf32, #tpu.memory_space<hbm>>
      %dma_start3A_159 = tpu.memref_slice %arg6[%mul3A_154] : memref<10240xf32, #tpu.memory_space<vmem_shared>> -> memref<640xf32, #tpu.memory_space<vmem_shared>>
      tpu.enqueue_dma source(%dma_start3A_159 : memref<640xf32, #tpu.memory_space<vmem_shared>>) target(%dma_start3A_158 : memref<640xf32, #tpu.memory_space<hbm>>) target_semaphore(%run_scoped3A : memref<!tpu.dma_semaphore, #tpu.memory_space<semaphore_mem>>)
      %dma_wait3A_160 = tpu.memref_slice %arg5[%arg0, %mul3A_156] : memref<2x10240xf32, #tpu.memory_space<hbm>> -> memref<1x640xf32, #tpu.memory_space<hbm>>
      %dma_wait3A_161 = tpu.memref_squeeze %dma_wait3A_160 : memref<1x640xf32, #tpu.memory_space<hbm>> -> memref<640xf32, #tpu.memory_space<hbm>>
      %dma_wait3A_162 = tpu.memref_slice %arg6[%mul3A_154] : memref<10240xf32, #tpu.memory_space<vmem_shared>> -> memref<640xf32, #tpu.memory_space<vmem_shared>>
      tpu.wait_dma2 semaphore(%run_scoped3A : memref<!tpu.dma_semaphore, #tpu.memory_space<semaphore_mem>>) src(%dma_wait3A_162 : memref<640xf32, #tpu.memory_space<vmem_shared>>) dst(%dma_wait3A_161 : memref<640xf32, #tpu.memory_space<hbm>>)
      tpu.yield
    }) : () -> ()
    return
  }
}

module attributes {stable_mosaic.version = 14 : i64} {
  func.func @_scale_body(%arg0: i32, %arg1: memref<1000x128xf32, #tpu.memory_space<vmem>>, %arg2: memref<1000x1xf32, #tpu.memory_space<vmem>>, %arg3: memref<1000x1xf32, #tpu.memory_space<vmem>>, %arg4: memref<1000x128xf32, #tpu.memory_space<vmem>>) attributes {dimension_semantics = [#tpu.dimension_semantics<arbitrary>], iteration_bounds = array<i64: 10>, scalar_prefetch = 0 : i64, scratch_operands = 0 : i64, tpu.core_type = #tpu.core_type<tc>, window_params = [{transform_indices = @transform_0, window_bounds = array<i64: 1000, 128>}, {transform_indices = @transform_1, window_bounds = array<i64: 1000, 1>}, {transform_indices = @transform_2, window_bounds = array<i64: 1000, 1>}, {transform_indices = @transform_3, window_bounds = array<i64: 1000, 128>}]} {
    %get3A = arith.constant 0 : index
    %get3A_0 = arith.constant 0 : index
    %get3A_1 = vector.load %arg2[%get3A, %get3A_0] : memref<1000x1xf32, #tpu.memory_space<vmem>>, vector<1000x1xf32>
    %get3A_2 = arith.constant 0 : index
    %get3A_3 = arith.constant 0 : index
    %get3A_4 = vector.load %arg3[%get3A_2, %get3A_3] : memref<1000x1xf32, #tpu.memory_space<vmem>>, vector<1000x1xf32>
    %add3A = arith.addf %get3A_1, %get3A_4 : vector<1000x1xf32>
    %add3A_5 = arith.constant 1.000000e+00 : f32
    %add3A_6 = vector.broadcast %add3A_5 : f32 to vector<1000x1xf32>
    %add3A_7 = arith.addf %add3A, %add3A_6 : vector<1000x1xf32>
    %get3A_8 = arith.constant 0 : index
    %get3A_9 = arith.constant 0 : index
    %get3A_10 = vector.load %arg1[%get3A_8, %get3A_9] : memref<1000x128xf32, #tpu.memory_space<vmem>>, vector<1000x128xf32>
    %rsqrt3A = math.rsqrt %add3A_7 : vector<1000x1xf32>
    %mul3A = vector.broadcast %rsqrt3A : vector<1000x1xf32> to vector<1000x128xf32>
    %mul3A_11 = arith.mulf %get3A_10, %mul3A : vector<1000x128xf32>
    %swap3A = arith.constant 0 : index
    %swap3A_12 = arith.constant 0 : index
    %swap3A_13 = vector.load %arg4[%swap3A, %swap3A_12] : memref<1000x128xf32, #tpu.memory_space<vmem>>, vector<1000x128xf32>
    tpu.vector_store %arg4[%swap3A, %swap3A_12], %mul3A_11 {strides = array<i32>} : memref<1000x128xf32, #tpu.memory_space<vmem>>, vector<1000x128xf32>,
    return
  }
  func.func @transform_0(%arg0: i32) -> (i32, i32) {
    %c0_i32 = arith.constant 0 : i32
    %c0_i32_0 = arith.constant 0 : i32
    return %arg0, %c0_i32 : i32, i32
  }
  func.func @transform_1(%arg0: i32) -> (i32, i32) {
    %c0_i32 = arith.constant 0 : i32
    %c0_i32_0 = arith.constant 0 : i32
    return %arg0, %c0_i32 : i32, i32
  }
  func.func @transform_2(%arg0: i32) -> (i32, i32) {
    %c0_i32 = arith.constant 0 : i32
    %c0_i32_0 = arith.constant 0 : i32
    return %arg0, %c0_i32 : i32, i32
  }
  func.func @transform_3(%arg0: i32) -> (i32, i32) {
    %c0_i32 = arith.constant 0 : i32
    %c0_i32_0 = arith.constant 0 : i32
    return %arg0, %c0_i32 : i32, i32
  }
}

module attributes {stable_mosaic.version = 14 : i64} {
  func.func @_final_body(%arg0: i32, %arg1: memref<1x1000x128xf32, #tpu.memory_space<vmem>>, %arg2: memref<1x1000x128xf32, #tpu.memory_space<vmem>>, %arg3: memref<1000x128xf32, #tpu.memory_space<vmem>>, %arg4: memref<1000x1xf32, #tpu.memory_space<vmem>>, %arg5: memref<1000x1xf32, #tpu.memory_space<vmem>>, %arg6: memref<128x256xf32, #tpu.memory_space<vmem>>, %arg7: memref<1x256xf32, #tpu.memory_space<vmem>>, %arg8: memref<1000x128xf32, #tpu.memory_space<vmem>>) attributes {dimension_semantics = [#tpu.dimension_semantics<arbitrary>], iteration_bounds = array<i64: 10>, scalar_prefetch = 0 : i64, scratch_operands = 0 : i64, tpu.core_type = #tpu.core_type<tc>, window_params = [{transform_indices = @transform_0, window_bounds = array<i64: 1, 1000, 128>}, {transform_indices = @transform_1, window_bounds = array<i64: 1, 1000, 128>}, {transform_indices = @transform_2, window_bounds = array<i64: 1000, 128>}, {transform_indices = @transform_3, window_bounds = array<i64: 1000, 1>}, {transform_indices = @transform_4, window_bounds = array<i64: 1000, 1>}, {pipeline_mode = #tpu.pipeline_mode<synchronous>, transform_indices = @transform_5, window_bounds = array<i64: 128, 256>}, {pipeline_mode = #tpu.pipeline_mode<synchronous>, transform_indices = @transform_6, window_bounds = array<i64: 1, 256>}, {transform_indices = @transform_7, window_bounds = array<i64: 1000, 128>}]} {
    %get3A = arith.constant 0 : index
    %get3A_0 = arith.constant 0 : index
    %get3A_1 = vector.load %arg4[%get3A, %get3A_0] : memref<1000x1xf32, #tpu.memory_space<vmem>>, vector<1000x1xf32>
    %get3A_2 = arith.constant 0 : index
    %get3A_3 = arith.constant 0 : index
    %get3A_4 = vector.load %arg5[%get3A_2, %get3A_3] : memref<1000x1xf32, #tpu.memory_space<vmem>>, vector<1000x1xf32>
    %add3A = arith.addf %get3A_1, %get3A_4 : vector<1000x1xf32>
    %add3A_5 = arith.constant 1.000000e+00 : f32
    %add3A_6 = vector.broadcast %add3A_5 : f32 to vector<1000x1xf32>
    %add3A_7 = arith.addf %add3A, %add3A_6 : vector<1000x1xf32>
    %get3A_8 = arith.constant 0 : index
    %get3A_9 = arith.constant 0 : index
    %get3A_10 = arith.constant 0 : index
    %get3A_11 = vector.load %arg1[%get3A_8, %get3A_9, %get3A_10] : memref<1x1000x128xf32, #tpu.memory_space<vmem>>, vector<1x1000x128xf32>
    %get3A_12 = vector.shape_cast %get3A_11 : vector<1x1000x128xf32> to vector<1000x128xf32>
    %get3A_13 = arith.constant 0 : index
    %get3A_14 = arith.constant 0 : index
    %get3A_15 = arith.constant 0 : index
    %get3A_16 = vector.load %arg2[%get3A_13, %get3A_14, %get3A_15] : memref<1x1000x128xf32, #tpu.memory_space<vmem>>, vector<1x1000x128xf32>
    %get3A_17 = vector.shape_cast %get3A_16 : vector<1x1000x128xf32> to vector<1000x128xf32>
    %add3A_18 = arith.addf %get3A_12, %get3A_17 : vector<1000x128xf32>
    %get3A_19 = arith.constant 0 : index
    %get3A_20 = arith.constant 0 : index
    %get3A_21 = vector.load %arg3[%get3A_19, %get3A_20] : memref<1000x128xf32, #tpu.memory_space<vmem>>, vector<1000x128xf32>
    %add3A_22 = arith.addf %add3A_18, %get3A_21 : vector<1000x128xf32>
    %rsqrt3A = math.rsqrt %add3A_7 : vector<1000x1xf32>
    %mul3A = vector.broadcast %rsqrt3A : vector<1000x1xf32> to vector<1000x128xf32>
    %mul3A_23 = arith.mulf %add3A_22, %mul3A : vector<1000x128xf32>
    %get3A_24 = arith.constant 0 : index
    %get3A_25 = arith.constant 0 : index
    %get3A_26 = vector.load %arg6[%get3A_24, %get3A_25] : memref<128x256xf32, #tpu.memory_space<vmem>>, vector<128x256xf32>
    %dot_general3A = arith.constant dense<0.000000e+00> : vector<1000x256xf32>
    %dot_general3A_27 = tpu.matmul %mul3A_23, %get3A_26, %dot_general3A {dimension_numbers = #tpu.dot_dimension_numbers<[1], [0], [0], [1], [0, 0, 1, 1], [], []>, transpose_lhs_hint = false} : vector<1000x128xf32>, vector<128x256xf32>, vector<1000x256xf32> -> vector<1000x256xf32>
    %get3A_28 = arith.constant 0 : index
    %get3A_29 = arith.constant 0 : index
    %get3A_30 = vector.load %arg7[%get3A_28, %get3A_29] : memref<1x256xf32, #tpu.memory_space<vmem>>, vector<1x256xf32>
    %add3A_31 = vector.broadcast %get3A_30 : vector<1x256xf32> to vector<1000x256xf32>
    %add3A_32 = arith.addf %dot_general3A_27, %add3A_31 : vector<1000x256xf32>
    %slice3A = vector.extract_strided_slice %add3A_32 {offsets = [0, 0], sizes = [1000, 128], strides = [1, 1]} : vector<1000x256xf32> to vector<1000x128xf32>
    %slice3A_33 = vector.extract_strided_slice %add3A_32 {offsets = [0, 128], sizes = [1000, 128], strides = [1, 1]} : vector<1000x256xf32> to vector<1000x128xf32>
    %mul3A_34 = arith.constant 5.000000e-01 : f32
    %mul3A_35 = vector.broadcast %mul3A_34 : f32 to vector<1000x128xf32>
    %mul3A_36 = arith.mulf %mul3A_35, %slice3A_33 : vector<1000x128xf32>
    %mul3A_37 = arith.constant 0.707106769 : f32
    %mul3A_38 = vector.broadcast %mul3A_37 : f32 to vector<1000x128xf32>
    %mul3A_39 = arith.mulf %slice3A_33, %mul3A_38 : vector<1000x128xf32>
    %erf3A = math.erf %mul3A_39 : vector<1000x128xf32>
    %add3A_40 = arith.constant 1.000000e+00 : f32
    %add3A_41 = vector.broadcast %add3A_40 : f32 to vector<1000x128xf32>
    %add3A_42 = arith.addf %add3A_41, %erf3A : vector<1000x128xf32>
    %mul3A_43 = arith.mulf %mul3A_36, %add3A_42 : vector<1000x128xf32>
    %mul3A_44 = arith.mulf %slice3A, %mul3A_43 : vector<1000x128xf32>
    %swap3A = arith.constant 0 : index
    %swap3A_45 = arith.constant 0 : index
    %swap3A_46 = vector.load %arg8[%swap3A, %swap3A_45] : memref<1000x128xf32, #tpu.memory_space<vmem>>, vector<1000x128xf32>
    tpu.vector_store %arg8[%swap3A, %swap3A_45], %mul3A_44 {strides = array<i32>} : memref<1000x128xf32, #tpu.memory_space<vmem>>, vector<1000x128xf32>,
    return
  }
  func.func @transform_0(%arg0: i32) -> (i32, i32, i32) {
    %c0_i32 = arith.constant 0 : i32
    %c0_i32_0 = arith.constant 0 : i32
    %c0_i32_1 = arith.constant 0 : i32
    return %c0_i32, %arg0, %c0_i32_0 : i32, i32, i32
  }
  func.func @transform_1(%arg0: i32) -> (i32, i32, i32) {
    %c1_i32 = arith.constant 1 : i32
    %c0_i32 = arith.constant 0 : i32
    %c0_i32_0 = arith.constant 0 : i32
    return %c1_i32, %arg0, %c0_i32 : i32, i32, i32
  }
  func.func @transform_2(%arg0: i32) -> (i32, i32) {
    %c0_i32 = arith.constant 0 : i32
    %c0_i32_0 = arith.constant 0 : i32
    return %arg0, %c0_i32 : i32, i32
  }
  func.func @transform_3(%arg0: i32) -> (i32, i32) {
    %c0_i32 = arith.constant 0 : i32
    %c0_i32_0 = arith.constant 0 : i32
    return %arg0, %c0_i32 : i32, i32
  }
  func.func @transform_4(%arg0: i32) -> (i32, i32) {
    %c0_i32 = arith.constant 0 : i32
    %c0_i32_0 = arith.constant 0 : i32
    return %arg0, %c0_i32 : i32, i32
  }
  func.func @transform_5(%arg0: i32) -> (i32, i32) {
    %c0_i32 = arith.constant 0 : i32
    %c0_i32_0 = arith.constant 0 : i32
    %c0_i32_1 = arith.constant 0 : i32
    return %c0_i32, %c0_i32_0 : i32, i32
  }
  func.func @transform_6(%arg0: i32) -> (i32, i32) {
    %c0_i32 = arith.constant 0 : i32
    %c0_i32_0 = arith.constant 0 : i32
    %c0_i32_1 = arith.constant 0 : i32
    return %c0_i32, %c0_i32_0 : i32, i32
  }
  func.func @transform_7(%arg0: i32) -> (i32, i32) {
    %c0_i32 = arith.constant 0 : i32
    %c0_i32_0 = arith.constant 0 : i32
    return %arg0, %c0_i32 : i32, i32
  }
}

</mosaic_0001>

<sc_bundles>
// kernel: kernel.6.cloned.1.call-start
scs
__scs_entry_jumppad:
0x0: {  	(pc) =	sbr.rel $0x88, $3  }
0x1: {  	(tag) =	ssettag $0x0;
	lr =	simm.s32 $0x1  }
0x2: {  	[smem:$0x3F9D] =	sst lr;
	_ =	strace $0xD0000000  }
0x3: {  	_ = 	snop  }
0x4: {  	_ = 	snop  }
0x5: {  	_ = 	snop  }
0x6: {  	_ = 	snop  }
0x7: {  	_ = 	snop  }
__scs_overlays_trampoline_lowered:
0x8: {  	[smem:$0x3FAC] =	sst s0  }
0x9: {  	[smem:$0x3FAD] =	sst s1  }
0xa: {  	[smem:$0x3FAE] =	sst s2  }
0xb: {  	[smem:$0x3FAF] =	sst s3  }
0xc: {  	[smem:$0x3FB0] =	sst s4  }
0xd: {  	[smem:$0x3FB1] =	sst s5  }
0xe: {  	[smem:$0x3FB2] =	sst s6  }
0xf: {  	[smem:$0x3FB3] =	sst s7  }
0x10: {  	[smem:$0x3FB4] =	sst s8  }
0x11: {  	[smem:$0x3FB5] =	sst s9;
	s0 =	simm.s32 @!p0 $0x0  }
0x12: {  	s1 =	sld [smem:$0x3F9B];
	s0 =	simm.s32 @p0 $0x1  }
0x13: {  	[smem:$0x3FB6] =	sst s0;
	s0 =	simm.s32 @!p1 $0x0  }
0x14: {  	s2 =	sld [smem:$0x3F9A];
	s0 =	simm.s32 @p1 $0x1  }
0x15: {  	[smem:$0x3FB7] =	sst s0;
	s0 =	simm.s32 @!p2 $0x0  }
0x16: {  	s3 =	sld [smem:$0x3FDB];
	s0 =	simm.s32 @p2 $0x1  }
0x17: {  	s4 =	simm.s32 $0x1BF5;
	[smem:$0x3FB9] =	sst s0  }
0x18: {  	s0 =	sld [smem:$0x3F9C];
	_ =	swait.ge [sflag:s4], $0x0  }
0x19: {  	s7 =	sld [smem:$0x3F9D]  }
0x1a: {  	s8 =	sadd.s32 $0xFFFFE003, lr  }
0x1b: {  	s9 =	sadd.s32 $0xFFFFFEF7, lr;
	s5 =	simm.s32 $0xFFFFFFFF;
	p2 =	slt.u32 s8, $0xFFFFF086  }
0x1c: {  	p1 =	slt.u32 s9, $0xF7A;
	s5 =	simm.s32 @!p2 $0x0  }
0x1d: {  	s5 =	simm.s32 @p1 $0x1;
	p0 =	seq.s32 s7, s2  }
0x1e: {  	s7 =	smul.u32 @!p0 $0xF7A, s2;
	p2 =	seq.s32 @!p0 s5, $0x0  }
0x1f: {  	s9 =	smul.u32 $0xF7A, s1;
	s8 =	simm.s32 @!p0 $0x1BF5;
	p2 =	por !p2, p0  }
0x20: {  	[sflag:s8] =	ssyncset.s32 @!p0 $0xFFFFF086;
	s6 =	sadd.s32 @!p0 s3, s7;
	s7 =	simm.s32 @!p0 $0x108  }
0x21: {  	s3 =	sadd.s32 s3, s9;
	s6 =	sadd.s32 @!p0 $0x88, s6;
	s7 =	simm.s32 @p2 $0x1082  }
0x22: {  	[simem:s7], [sflag:s8] =	dma.local @!p0 [hbm:s6], $0xF7A  }
0x23: {  	s9 =	sor.u32 $0xD0000000, s2;
	s6 =	simm.s32 $0x108;
	_ =	swait.ge @!p0 [sflag:s8], $0x0  }
0x24: {  	s3 =	sadd.s32 $0x88, s3;
	s6 =	simm.s32 @!p1 $0x1082;
	[sflag:s4] =	ssyncset.s32 $0xFFFFF086  }
0x25: {  	[simem:s6], [sflag:s4] =	dma.local [hbm:s3], $0xF7A  }
0x26: {  	[smem:$0x3F9D] =	sst s1;
	(tag) =	ssettag s2;
	_ =	strace s9  }
0x27: {  	s1 =	sld [smem:$0x3FAD]  }
0x28: {  	s2 =	sld [smem:$0x3FAE]  }
0x29: {  	s4 =	sld [smem:$0x3FB0]  }
0x2a: {  	p0 =	seq.s32 s5, $0x0;
	s5 =	sld [smem:$0x3FB1]  }
0x2b: {  	s6 =	sld [smem:$0x3FB2]  }
0x2c: {  	s7 =	sld [smem:$0x3FB3]  }
0x2d: {  	s3 =	simm.s32 $0x108;
	s8 =	sld [smem:$0x3FB4]  }
0x2e: {  	s3 =	simm.s32 @!p0 $0x1082;
	s9 =	sld [smem:$0x3FB5]  }
0x2f: {  	lr =	sadd.s32 s0, s3;
	s0 =	sld [smem:$0x3FAC]  }
0x30: {  	s3 =	sld [smem:$0x3FAF]  }
0x31: {  	[smem:$0x3FB8] =	sst s10  }
0x32: {  	s10 =	sld [smem:$0x3FB6];
	_ =	sdelay $0x3  }
0x33: {  	p0 =	seq.s32 s10, $0x1;
	s10 =	sld [smem:$0x3FB8];
	_ =	sdelay $0x3  }
0x34: {  	[smem:$0x3FB8] =	sst s10  }
0x35: {  	s10 =	sld [smem:$0x3FB7];
	_ =	sdelay $0x3  }
0x36: {  	p1 =	seq.s32 s10, $0x1;
	s10 =	sld [smem:$0x3FB8];
	_ =	sdelay $0x3  }
0x37: {  	[smem:$0x3FB8] =	sst s10  }
0x38: {  	s10 =	sld [smem:$0x3FB9]  }
0x39: {  	_ = 	snop;
	(pc) =	sbr.ind lr, $3  }
0x3a: {  	_ = 	snop  }
0x3b: {  	_ = 	snop  }
0x3c: {  	p2 =	seq.s32 s10, $0x1;
	s10 =	sld [smem:$0x3FB8]  }
0x3d: {  	_ =	shalt  }
0x3e: {  	_ =	shalt  }
0x3f: {  	_ =	shalt  }
0x40: {  	_ =	shalt  }
0x41: {  	_ =	shalt  }
0x42: {  	_ =	shalt  }
0x43: {  	_ =	shalt  }
0x44: {  	_ =	shalt  }
0x45: {  	_ =	shalt  }
0x46: {  	_ =	shalt  }
0x47: {  	_ =	shalt  }
0x48: {  	_ =	shalt  }
0x49: {  	_ =	shalt  }
0x4a: {  	_ =	shalt  }
0x4b: {  	_ =	shalt  }
0x4c: {  	_ =	shalt  }
0x4d: {  	_ =	shalt  }
0x4e: {  	_ =	shalt  }
0x4f: {  	_ =	shalt  }
0x50: {  	_ =	shalt  }
0x51: {  	_ =	shalt  }
0x52: {  	_ =	shalt  }
0x53: {  	_ =	shalt  }
0x54: {  	_ =	shalt  }
0x55: {  	_ =	shalt  }
0x56: {  	_ =	shalt  }
0x57: {  	_ =	shalt  }
0x58: {  	_ =	shalt  }
0x59: {  	_ =	shalt  }
0x5a: {  	_ =	shalt  }
0x5b: {  	_ =	shalt  }
0x5c: {  	_ =	shalt  }
0x5d: {  	_ =	shalt  }
0x5e: {  	_ =	shalt  }
0x5f: {  	_ =	shalt  }
0x60: {  	_ =	shalt  }
0x61: {  	_ =	shalt  }
0x62: {  	_ =	shalt  }
0x63: {  	_ =	shalt  }
0x64: {  	_ =	shalt  }
0x65: {  	_ =	shalt  }
0x66: {  	_ =	shalt  }
0x67: {  	_ =	shalt  }
0x68: {  	_ =	shalt  }
0x69: {  	_ =	shalt  }
0x6a: {  	_ =	shalt  }
0x6b: {  	_ =	shalt  }
0x6c: {  	_ =	shalt  }
0x6d: {  	_ =	shalt  }
0x6e: {  	_ =	shalt  }
0x6f: {  	_ =	shalt  }
0x70: {  	_ =	shalt  }
0x71: {  	_ =	shalt  }
0x72: {  	_ =	shalt  }
0x73: {  	_ =	shalt  }
0x74: {  	_ =	shalt  }
0x75: {  	_ =	shalt  }
0x76: {  	_ =	shalt  }
0x77: {  	_ =	shalt  }
0x78: {  	_ =	shalt  }
0x79: {  	_ =	shalt  }
0x7a: {  	_ =	shalt  }
0x7b: {  	_ =	shalt  }
0x7c: {  	_ =	shalt  }
0x7d: {  	_ =	shalt  }
0x7e: {  	_ =	shalt  }
0x7f: {  	_ =	shalt  }
0x80: {  	_ =	shalt  }
0x81: {  	_ =	shalt  }
0x82: {  	_ =	shalt  }
0x83: {  	_ =	shalt  }
0x84: {  	_ =	shalt  }
0x85: {  	_ =	shalt  }
0x86: {  	_ =	shalt  }
0x87: {  	_ =	shalt  }
.Lfunc_end0:
.L_simem_size_0:
called_computation_lowered:
.L_overlay_start_0:
0x88: {  	s2 =	sld [smem:$0x3FD9]  }
0x89: {  	s3 =	sld [smem:$0x3FFE];
	_ =	sdelay $0x1  }
0x8a: {  	s1 =	srdreg.scid  }
0x8b: {  	s0 =	sand.u32 $0x1, s1  }
0x8c: {  	s17 =	sshll.u32 s0, $0xA;
	s2 =	sadd.s32 s3, s2  }
0x8d: {  	s2 =	sadd.s32 s2, s17  }
0x8e: {  	[smem:$0x3FC4] =	sst s2  }
0x8f: {  	_ = 	snop  }
0x90: {  	s2 =	sld [smem:$0x3FD0];
	(tm) =	ssettm $0x1  }
0x91: {  	s18 =	sld [smem:$0x3FFB];
	_ =	sdelay $0x3  }
0x92: {  	_ =	strace s18  }
0x93: {  	s3 =	sld [smem:$0x3FFC];
	_ =	sdelay $0x3  }
0x94: {  	_ =	strace s3  }
0x95: {  	s3 =	sld [smem:$0x3FFD];
	_ =	sdelay $0x3  }
0x96: {  	_ =	strace s3  }
0x97: {  	_ =	strace $0x8FFFFFFF  }
0x98: {  	s19 =	sld [smem:$0x3FDB];
	_ =	sdelay $0x1  }
0x99: {  	s4 =	simm.s32 $_scs_section_size  }
0x9a: {  	s5 =	simm.s32 $_size__tile_overlayer_lowered;
	s6 =	simm.s32 $_tile_overlayer_lowered  }
0x9b: {  	s22 =	simm.s32 $0x1BFF;
	s21 =	sshll.u32 s6, $0x1;
	s3 =	sadd.s32 s4, s19  }
0x9c: {  	s7 =	simm.s32 $0x0;
	s20 =	sshll.u32 s5, $0x1;
	s5 =	sadd.s32 s21, s3  }
0x9d: {  	[timem:s7], [sflag:s22] =	dma.local [hbm:s5], s20  }
0x9e: {  	_ =	swait.ge [sflag:s22], s20  }
0x9f: {  	s4 =	ssub.s32 $0x0, s20;
	[sflag:s22] =	ssyncset.done $0x0  }
0xa0: {  	[sflag:s22] =	ssyncadd.s32 s4;
	_ =	sdelay $0x1  }
0xa1: {  	s23 =	simm.s32 $0x1B8B  }
0xa2: {  	_ =	swait.ge [sflag:s23], $0x1  }
0xa3: {  	[sflag:s23] =	ssyncset.done $0x0  }
0xa4: {  	s25 =	simm.s32 $0x1B8E;
	s24 =	sld [smem:$0x3FFE];
	[sflag:s23] =	ssyncadd.s32 $0xFFFFFFFF  }
0xa5: {  	s26 =	simm.s32 $execute0_lowered;
	[smem:$0x3FD2] =	sst s25  }
0xa6: {  	s5 =	sshll.u32 s26, $0x1;
	_ =	strace $0x80000046;
	[dreg:$0x1] =	wrdreg $0xFFFFFFFF  }
0xa7: {  	s28 =	simm.s32 $_size_execute0_lowered;
	s3 =	sadd.s32 s3, s5;
	[dreg:$0x0] =	wrdreg $0x0  }
0xa8: {  	s5 =	sshll.u32 s28, $0x1;
	[dreg:$0x2] =	wrdreg s3  }
0xa9: {  	[dreg:$0x3] =	wrdreg s5  }
0xaa: {  	[dreg:$0x4] =	wrdreg $0xC0  }
0xab: {  	_ =	task [dreg:s7], $0x5FFFF  }
0xac: {  	[dreg:$0x1] =	wrdreg $0xFFFFFFFF  }
0xad: {  	[dreg:$0x0] =	wrdreg $0x60  }
0xae: {  	[dreg:$0x2] =	wrdreg s24  }
0xaf: {  	[dreg:$0x3] =	wrdreg s2  }
0xb0: {  	[dreg:$0x4] =	wrdreg $0x0  }
0xb1: {  	[dreg:$0x5] =	wrdreg $0x9  }
0xb2: {  	_ =	task.clear_ibuf [dreg:s7], $0x6FFFF;
	_ =	strace $0x90000046  }
0xb3: {  	s29 =	simm.s32 $0x9;
	_ =	strace $0x80000048  }
0xb4: {  	_ =	swait.ge [sflag:s29], $0x1  }
0xb5: {  	[sflag:s29] =	ssyncadd.s32 $0xFFFFFFFF  }
0xb6: {  	_ =	strace $0x90000048  }
0xb7: {  	_ =	sfence  }
0xb8: {  	s30 =	sld [smem:$0x0];
	_ =	sdelay $0x2  }
0xb9: {  	s31 =	sshll.u32 s1, $0xD;
	s1 =	sshrl.u32 s1, $0x2  }
0xba: {  	s3 =	sand.u32 $0x4000, s31;
	s1 =	sadd.s32 s1, s30  }
0xbb: {  	s0 =	sor.u32 s3, s0;
	s1 =	sshll.u32 s1, $0x11  }
0xbc: {  	s0 =	sor.u32 s1, s0  }
0xbd: {  	s0 =	sadd.s32 $0x8F2B, s0  }
0xbe: {  	[sflag:s0] =	ssyncadd.remote.s32 $0x1  }
0xbf: {  	_ =	sfence.sel $0xFFFF  }
0xc0: {  	[dreg:$0x0] =	wrdreg $0xFFFFFFFF;
	(pc) =	sbr.abs _section_cstart, $3  }
0xc1: {  	[dreg:$0x1] =	wrdreg $0xFFFFFFFF  }
0xc2: {  	_ =	task.clear_ibuf [dreg:s7], $0x2FFFF;
	_ =	strace $0x9FFFFFFF  }
0xc3: {  	(tm) =	ssettm $0x7FFFFFFF  }
tec
execute0_lowered:
.L_overlay_start_1:
0x0: {  	(tag) =	ssettag $0x1  }
0x1: {  	s0 =	rddreg [dreg:$0x0]  }
0x2: {  	s2 =	rddreg [dreg:$0x1]  }
0x3: {  	s1 =	rddreg [dreg:$0x2];
	s3 =	simm.s32 $0x0;
	s4 =	srdreg.scid  }
0x4: {  	s16 =	stileid.u32;
	s28 =	simm.s32 $0x4;
	s31 =	simm.s32 $0x0  }
0x5: {  	[smem:$0x7FF] =	sst s3;
	s4 =	sand.u32 $0x1, s4;
	s5 =	smul.u32 $0x280, s16  }
0x6: {  	s13 =	sadd.s32 $0x1200, s0;
	s7 =	sadd.s32 $0x14E00, s0;
	s15 =	smul.u32 $0x500, s16  }
0x7: {  	s10 =	smul.u32 $0x2710, s16;
	s26 =	sshll.u32 s16, $0x6;
	_ =	strace $0x80000047  }
0x8: {  	s6 =	sshll.u32 s4, $0x4;
	[dreg:$0x4] =	wrdreg s7;
	s14 =	ssub.s32 $0x2, s4  }
0x9: {  	s18 =	smul.u32 $0x27100, s4;
	s4 =	sshll.u32 s4, $0x7;
	s6 =	sor.u32 s16, s6  }
0xa: {  	s8 =	sshrl.u32 s5, $0x3;
	s9 =	sshrl.u32 s14, $0x1;
	s20 =	sor.u32 s4, s15  }
0xb: {  	s15 =	simm.s32 $0x480;
	s16 =	simm.s32 $0x5;
	s6 =	smul.u32 $0x2710, s6  }
0xc: {  	s0 =	sadd.s32 s8, s0;
	s11 =	ssub.s32 s14, s9;
	s22 =	sadd.s32 s10, s18  }
0xd: {  	s14 =	sadd.s32 s5, s1;
	s0 =	sadd.s32 $0x15000, s0;
	s23 =	sadd.s32 $0x190, s22  }
0xe: {  	s11 =	smax.u32 s11, $0x1;
	s24 =	sadd.s32 $0x140, s22;
	s18 =	sshrl.u32 s14, $0x3  }
0xf: {  	s22 =	simm.s32 $0x50;
	s17 =	sshrl.u32 s6, $0x3;
	[dreg:$0x5] =	wrdreg s0  }
0x10: {  	s0 =	sshrl.u32 s20, $0x3;
	s25 =	sshrl.u32 s24, $0x3;
	s20 =	simm.s32 $0x300  }
0x11: {  	s24 =	simm.s32 $0x2;
	s5 =	sadd.s32 s13, s17;
	s10 =	sadd.s32 s2, s0  }
0x12: {  	s0 =	sshrl.u32 s23, $0x3;
	s29 =	sadd.s32 s25, s13;
	s17 =	sor.u32 $0x1C05, s26  }
0x13: {  	s23 =	simm.s32 $0x380;
	s25 =	simm.s32 $0x400;
	s26 =	simm.s32 $0x3  }
0x14: {  	s19 =	sadd.s32 $0xA, s5;
	s21 =	sadd.s32 $0x14, s5;
	s9 =	sadd.s32 $0x1E, s5  }
0x15: {  	s12 =	sadd.s32 $0x4D8, s5;
	s30 =	sadd.s32 s0, s13;
	[dreg:$0x6] =	wrdreg s19  }
0x16: {  	[dreg:$0x7] =	wrdreg s21;
	s19 =	simm.s32 $0x280;
	s21 =	simm.s32 $0x1  }
.LBB2_1:
0x17: {  	s0 =	rddreg [dreg:$0x4]  }
0x18: {  	[tilespmem:s15], [sflag:$0x5] =	stream.linear.gather [hbm4b:s0+s3], $0x80, $0x38;
	[tilespmem:$0x500] =	vst v63  }
0x19: {  	_ =	swait.ge [sflag:s16], $0x80  }
0x1a: {  	[sflag:s16] =	ssyncset.done $0x0  }
0x1b: {  	s6 =	rddreg [dreg:$0x5];
	[sflag:s16] =	ssyncadd.s32 $0xFFFFFF80  }
0x1c: {  	[spmem:s18], [sflag:s17] =	dma.local [hbm:s6], $0x50  }
0x1d: {  	_ =	swait.ge [sflag:s16], $0x50  }
0x1e: {  	[sflag:s16] =	ssyncset.done $0x0  }
0x1f: {  	[sflag:s16] =	ssyncadd.s32 $0xFFFFFFB0  }
0x20: {  	[tilespmem:s19], [sflag:$0x1] =	stream.linear.gather [hbm4b:s5+s3], $0x50, $0x38;
	[tilespmem:$0x500] =	vst v63  }
0x21: {  	s7 =	rddreg [dreg:$0x6]  }
0x22: {  	[tilespmem:s20], [sflag:$0x2] =	stream.linear.gather [hbm4b:s7+s3], $0x50, $0x38;
	[tilespmem:$0x500] =	vst v63  }
0x23: {  	[bflag:$0x0] =	sbarrier.arrive $0xFFFF  }
0x24: {  	_ =	swait.ge [sflag:s21], $0x50  }
0x25: {  	[sflag:s21] =	ssyncset.done $0x0  }
0x26: {  	[sflag:s21] =	ssyncadd.s32 $0xFFFFFFB0  }
0x27: {  	[spmem:s1] =	stream.indirect.scatter.add.f32 [tilespmem:s15], [sflag:$0x3], $0x1, s19, s22, $0xb8;
	[tilespmem:$0x500] =	vst v63  }
0x28: {  	s8 =	rddreg [dreg:$0x7]  }
0x29: {  	[tilespmem:s23], [sflag:$0x1] =	stream.linear.gather [hbm4b:s8+s3], $0x50, $0x38;
	[tilespmem:$0x500] =	vst v63  }
0x2a: {  	_ =	swait.ge [sflag:s24], $0x50  }
0x2b: {  	[sflag:s24] =	ssyncset.done $0x0  }
0x2c: {  	[sflag:s24] =	ssyncadd.s32 $0xFFFFFFB0  }
0x2d: {  	[spmem:s1] =	stream.indirect.scatter.add.f32 [tilespmem:s15], [sflag:$0x4], $0x1, s20, s22, $0xb8;
	[tilespmem:$0x500] =	vst v63  }
0x2e: {  	_ = 	snop  }
0x2f: {  	[tilespmem:s25], [sflag:$0x2] =	stream.linear.gather [hbm4b:s9+s3], $0x50, $0x38;
	[tilespmem:$0x500] =	vst v63  }
0x30: {  	_ =	swait.ge [sflag:s26], $0x50  }
0x31: {  	[sflag:s26] =	ssyncset.done $0x0  }
0x32: {  	s13 =	simm.s32 $0x400;
	[sflag:s26] =	ssyncadd.s32 $0xFFFFFFB0  }
0x33: {  	s2 =	simm.s32 $0x800;
	s0 =	sand.u32 $0x400, s13;
	_ =	swait.ge [sflag:s21], $0x50  }
0x34: {  	s2 =	sand.u32 $0x400, s2;
	s0 =	sshrl.u32 s0, $0x2;
	[sflag:s21] =	ssyncset.done $0x0  }
0x35: {  	s2 =	sshrl.u32 s2, $0x2;
	s4 =	sor.u32 $0x280, s0;
	[sflag:s21] =	ssyncadd.s32 $0xFFFFFFB0  }
0x36: {  	[spmem:s1] =	stream.indirect.scatter.add.f32 [tilespmem:s15], [sflag:$0x3], $0x1, s4, s22, $0xb8;
	[tilespmem:$0x500] =	vst v63  }
0x37: {  	s2 =	sor.u32 $0x280, s2  }
0x38: {  	[tilespmem:s2], [sflag:$0x1] =	stream.linear.gather [hbm4b:s29+s3], $0x50, $0x38;
	[tilespmem:$0x500] =	vst v63  }
0x39: {  	_ =	swait.ge [sflag:s28], $0x50  }
0x3a: {  	[sflag:s28] =	ssyncset.done $0x0  }
0x3b: {  	[sflag:s28] =	ssyncadd.s32 $0xFFFFFFB0  }
0x3c: {  	s14 =	simm.s32 $0xA00;
	_ =	swait.ge [sflag:s24], $0x50  }
0x3d: {  	s13 =	smov.u32 s30;
	s0 =	sadd.s32 $0x300, s0;
	[sflag:s24] =	ssyncset.done $0x0  }
0x3e: {  	s2 =	sand.u32 $0x600, s14;
	s14 =	smov.u32 s29;
	[sflag:s24] =	ssyncadd.s32 $0xFFFFFFB0  }
0x3f: {  	[spmem:s1] =	stream.indirect.scatter.add.f32 [tilespmem:s15], [sflag:$0x4], $0x1, s0, s22, $0xb8;
	[tilespmem:$0x500] =	vst v63  }
0x40: {  	s4 =	sshrl.u32 s2, $0x2;
	s2 =	smov.u32 s30;
	s0 =	simm.s32 $0xE00  }
.LBB2_2:
0x41: {  	s4 =	sadd.s32 $0x280, s4  }
0x42: {  	s13 =	sadd.s32 $0x14, s13;
	s14 =	sadd.s32 $0x14, s14;
	s6 =	smov.u32 s0  }
0x43: {  	[tilespmem:s4], [sflag:$0x2] =	stream.linear.gather [hbm4b:s2+s3], $0x50, $0x38;
	[tilespmem:$0x500] =	vst v63  }
0x44: {  	p0 =	sne.s32 s0, $0xF600;
	s0 =	sadd.s32 $0x400, s0;
	_ =	swait.ge [sflag:s26], $0x50  }
0x45: {  	s4 =	sadd.s32 $0xFFFFFA00, s6;
	s2 =	smov.u32 s13;
	[sflag:s26] =	ssyncset.done $0x0  }
0x46: {  	s4 =	sand.u32 $0x400, s4;
	[sflag:s26] =	ssyncadd.s32 $0xFFFFFFB0  }
0x47: {  	s7 =	sadd.s32 $0xFFFFFE00, s6;
	s4 =	sshrl.u32 s4, $0x2;
	_ =	swait.ge [sflag:s21], $0x50  }
0x48: {  	s7 =	sand.u32 $0x400, s7;
	s8 =	sor.u32 $0x280, s4;
	[sflag:s21] =	ssyncset.done $0x0  }
0x49: {  	s7 =	sshrl.u32 s7, $0x2;
	[sflag:s21] =	ssyncadd.s32 $0xFFFFFFB0  }
0x4a: {  	[spmem:s1] =	stream.indirect.scatter.add.f32 [tilespmem:s15], [sflag:$0x3], $0x1, s8, s22, $0xb8;
	[tilespmem:$0x500] =	vst v63  }
0x4b: {  	s7 =	sor.u32 $0x280, s7  }
0x4c: {  	[tilespmem:s7], [sflag:$0x1] =	stream.linear.gather [hbm4b:s14+s3], $0x50, $0x38;
	[tilespmem:$0x500] =	vst v63  }
0x4d: {  	_ =	swait.ge [sflag:s28], $0x50  }
0x4e: {  	[sflag:s28] =	ssyncset.done $0x0  }
.Ltmp0:
0x4f: {  	[sflag:s28] =	ssyncadd.s32 $0xFFFFFFB0;
	(pc) =	sbr.rel @p0 .LBB2_2-.Ltmp0, $4  }
0x50: {  	_ =	swait.ge [sflag:s24], $0x50  }
0x51: {  	s7 =	sadd.s32 $0x300, s4;
	s4 =	sand.u32 $0x600, s6;
	[sflag:s24] =	ssyncset.done $0x0  }
0x52: {  	s4 =	sshrl.u32 s4, $0x2;
	[sflag:s24] =	ssyncadd.s32 $0xFFFFFFB0  }
0x53: {  	[spmem:s1] =	stream.indirect.scatter.add.f32 [tilespmem:s15], [sflag:$0x4], $0x1, s7, s22, $0xb8;
	[tilespmem:$0x500] =	vst v63  }
0x54: {  	s0 =	sadd.s32 $0x280, s4  }
0x55: {  	[tilespmem:s0], [sflag:$0x2] =	stream.linear.gather [hbm4b:s2+s3], $0x50, $0x38;
	[tilespmem:$0x500] =	vst v63  }
0x56: {  	_ =	swait.ge [sflag:s26], $0x50  }
0x57: {  	[sflag:s26] =	ssyncset.done $0x0  }
0x58: {  	[sflag:s26] =	ssyncadd.s32 $0xFFFFFFB0  }
0x59: {  	_ =	swait.ge [sflag:s21], $0x50  }
0x5a: {  	[sflag:s21] =	ssyncset.done $0x0  }
0x5b: {  	[sflag:s21] =	ssyncadd.s32 $0xFFFFFFB0  }
0x5c: {  	[spmem:s1] =	stream.indirect.scatter.add.f32 [tilespmem:s15], [sflag:$0x3], $0x1, s23, s22, $0xb8;
	[tilespmem:$0x500] =	vst v63  }
0x5d: {  	_ = 	snop  }
0x5e: {  	[tilespmem:s19], [sflag:$0x1] =	stream.linear.gather [hbm4b:s12+s3], $0x50, $0x38;
	[tilespmem:$0x500] =	vst v63  }
0x5f: {  	_ =	swait.ge [sflag:s28], $0x50  }
0x60: {  	[sflag:s28] =	ssyncset.done $0x0  }
0x61: {  	[sflag:s28] =	ssyncadd.s32 $0xFFFFFFB0  }
0x62: {  	_ =	swait.ge [sflag:s24], $0x50  }
0x63: {  	[sflag:s24] =	ssyncset.done $0x0  }
0x64: {  	[sflag:s24] =	ssyncadd.s32 $0xFFFFFFB0  }
0x65: {  	[spmem:s1] =	stream.indirect.scatter.add.f32 [tilespmem:s15], [sflag:$0x4], $0x1, s25, s22, $0xb8;
	[tilespmem:$0x500] =	vst v63  }
0x66: {  	_ = 	snop  }
0x67: {  	[tilespmem:s19], [sflag:$0x2] =	stream.linear.gather [hbm4b:s12+s3], $0x50, $0x38;
	[tilespmem:$0x500] =	vst v63  }
0x68: {  	_ =	swait.ge [sflag:s26], $0x50  }
0x69: {  	[sflag:s26] =	ssyncset.done $0x0  }
0x6a: {  	[sflag:s26] =	ssyncadd.s32 $0xFFFFFFB0  }
0x6b: {  	_ =	swait.ge [sflag:s21], $0x50  }
0x6c: {  	[sflag:s21] =	ssyncset.done $0x0  }
0x6d: {  	[sflag:s21] =	ssyncadd.s32 $0xFFFFFFB0  }
0x6e: {  	[spmem:s1] =	stream.indirect.scatter.add.f32 [tilespmem:s15], [sflag:$0x3], $0x1, s19, s22, $0xb8;
	[tilespmem:$0x500] =	vst v63  }
0x6f: {  	_ =	swait.ge [sflag:s28], $0x50  }
0x70: {  	[sflag:s28] =	ssyncset.done $0x0  }
0x71: {  	[sflag:s28] =	ssyncadd.s32 $0xFFFFFFB0  }
0x72: {  	_ =	swait.ge [sflag:s26], $0x50  }
0x73: {  	[sflag:s26] =	ssyncset.done $0x0  }
0x74: {  	[sflag:s26] =	ssyncadd.s32 $0xFFFFFFB0  }
0x75: {  	_ =	swait.ge [sflag:s24], $0x50  }
0x76: {  	s31 =	sadd.s32 $0x1, s31;
	[sflag:s24] =	ssyncset.done $0x0  }
0x77: {  	s13 =	simm.s32 $0x20;
	p0 =	sne.s32 s31, s11;
	[sflag:s24] =	ssyncadd.s32 $0xFFFFFFB0  }
.Ltmp1:
0x78: {  	s14 =	simm.s32 $0x10;
	[bflag:$0x0] =	sbarrier.arrive $0xFFFF;
	(pc) =	sbr.rel @p0 .LBB2_1-.Ltmp1, $4  }
0x79: {  	[hbm:s10@s13], [sflag:s17] =	dma.strided [spmem:s18@s14], $0x50, s21, $0x10   }
0x7a: {  	_ =	swait.ge [sflag:s16], $0x50  }
0x7b: {  	[sflag:s16] =	ssyncset.done $0x0  }
0x7c: {  	[sflag:s16] =	ssyncadd.s32 $0xFFFFFFB0  }
0x7d: {  	_ =	sfence.sel $0x180000  }
0x7e: {  	[bflag:$0x0] =	sbarrier.arrive $0xFFFF  }
0x7f: {  	_ =	strace $0x90000047  }
0x80: {  	s0 =	stileid.u32;
	[bflag:$0x2] =	sbarrier.arrive $0xFFFF  }
0x81: {  	p0 =	sne.s32 s0, $0x0;
	s0 =	rddreg [dreg:$0x3]  }
0x82: {  	s0 =	sadd.s32 @!p0 $0x100000, s0  }
0x83: {  	[sflag:s0] =	ssyncadd.tile.s32 @!p0 $0x1;
	_ =	shalt  }
.Lfunc_end2:
_tile_overlayer_lowered:
.L_overlay_start_2:
0x84: {  	(tag) =	ssettag $0x2  }
0x85: {  	s0 =	rddreg [dreg:$0x0];
	s2 =	stileid.u32  }
0x86: {  	s1 =	rddreg [dreg:$0x1];
	p0 =	sne.s32 s2, $0x0  }
0x87: {  	s3 =	rddreg [dreg:$0x2];
	[bflag:$0x3] =	sbarrier.arrive $0xFFFF;
	s2 =	simm.s32 @!p0 $0x1C05  }
0x88: {  	[timem:s3], [sflag:s2] =	dma.local @!p0 [hbm:s0], s1  }
0x89: {  	s0 =	simm.s32 @!p0 $0x5  }
0x8a: {  	_ =	swait.ge @!p0 [sflag:s0], s1  }
0x8b: {  	s1 =	ssub.s32 @!p0 $0x0, s1;
	[sflag:s0] =	ssyncset.done @!p0 $0x0  }
0x8c: {  	[sflag:s0] =	ssyncadd.s32 @!p0 s1  }
0x8d: {  	[bflag:$0x3] =	sbarrier.arrive $0xFFFF  }
0x8e: {  	_ =	shalt  }

// kernel: kernel.9.cloned.1.call-start
scs
__scs_entry_jumppad:
0x0: {  	(pc) =	sbr.rel $0x88, $3  }
0x1: {  	(tag) =	ssettag $0x0;
	lr =	simm.s32 $0x1  }
0x2: {  	[smem:$0x3F9D] =	sst lr;
	_ =	strace $0xD0000000  }
0x3: {  	_ = 	snop  }
0x4: {  	_ = 	snop  }
0x5: {  	_ = 	snop  }
0x6: {  	_ = 	snop  }
0x7: {  	_ = 	snop  }
__scs_overlays_trampoline_lowered:
0x8: {  	[smem:$0x3FAC] =	sst s0  }
0x9: {  	[smem:$0x3FAD] =	sst s1  }
0xa: {  	[smem:$0x3FAE] =	sst s2  }
0xb: {  	[smem:$0x3FAF] =	sst s3  }
0xc: {  	[smem:$0x3FB0] =	sst s4  }
0xd: {  	[smem:$0x3FB1] =	sst s5  }
0xe: {  	[smem:$0x3FB2] =	sst s6  }
0xf: {  	[smem:$0x3FB3] =	sst s7  }
0x10: {  	[smem:$0x3FB4] =	sst s8  }
0x11: {  	[smem:$0x3FB5] =	sst s9;
	s0 =	simm.s32 @!p0 $0x0  }
0x12: {  	s1 =	sld [smem:$0x3F9B];
	s0 =	simm.s32 @p0 $0x1  }
0x13: {  	[smem:$0x3FB6] =	sst s0;
	s0 =	simm.s32 @!p1 $0x0  }
0x14: {  	s2 =	sld [smem:$0x3F9A];
	s0 =	simm.s32 @p1 $0x1  }
0x15: {  	[smem:$0x3FB7] =	sst s0;
	s0 =	simm.s32 @!p2 $0x0  }
0x16: {  	s3 =	sld [smem:$0x3FDB];
	s0 =	simm.s32 @p2 $0x1  }
0x17: {  	s4 =	simm.s32 $0x1BF5;
	[smem:$0x3FB9] =	sst s0  }
0x18: {  	s0 =	sld [smem:$0x3F9C];
	_ =	swait.ge [sflag:s4], $0x0  }
0x19: {  	s7 =	sld [smem:$0x3F9D]  }
0x1a: {  	s8 =	sadd.s32 $0xFFFFE003, lr  }
0x1b: {  	s9 =	sadd.s32 $0xFFFFFEF7, lr;
	s5 =	simm.s32 $0xFFFFFFFF;
	p2 =	slt.u32 s8, $0xFFFFF086  }
0x1c: {  	p1 =	slt.u32 s9, $0xF7A;
	s5 =	simm.s32 @!p2 $0x0  }
0x1d: {  	s5 =	simm.s32 @p1 $0x1;
	p0 =	seq.s32 s7, s2  }
0x1e: {  	s7 =	smul.u32 @!p0 $0xF7A, s2;
	p2 =	seq.s32 @!p0 s5, $0x0  }
0x1f: {  	s9 =	smul.u32 $0xF7A, s1;
	s8 =	simm.s32 @!p0 $0x1BF5;
	p2 =	por !p2, p0  }
0x20: {  	[sflag:s8] =	ssyncset.s32 @!p0 $0xFFFFF086;
	s6 =	sadd.s32 @!p0 s3, s7;
	s7 =	simm.s32 @!p0 $0x108  }
0x21: {  	s3 =	sadd.s32 s3, s9;
	s6 =	sadd.s32 @!p0 $0x88, s6;
	s7 =	simm.s32 @p2 $0x1082  }
0x22: {  	[simem:s7], [sflag:s8] =	dma.local @!p0 [hbm:s6], $0xF7A  }
0x23: {  	s9 =	sor.u32 $0xD0000000, s2;
	s6 =	simm.s32 $0x108;
	_ =	swait.ge @!p0 [sflag:s8], $0x0  }
0x24: {  	s3 =	sadd.s32 $0x88, s3;
	s6 =	simm.s32 @!p1 $0x1082;
	[sflag:s4] =	ssyncset.s32 $0xFFFFF086  }
0x25: {  	[simem:s6], [sflag:s4] =	dma.local [hbm:s3], $0xF7A  }
0x26: {  	[smem:$0x3F9D] =	sst s1;
	(tag) =	ssettag s2;
	_ =	strace s9  }
0x27: {  	s1 =	sld [smem:$0x3FAD]  }
0x28: {  	s2 =	sld [smem:$0x3FAE]  }
0x29: {  	s4 =	sld [smem:$0x3FB0]  }
0x2a: {  	p0 =	seq.s32 s5, $0x0;
	s5 =	sld [smem:$0x3FB1]  }
0x2b: {  	s6 =	sld [smem:$0x3FB2]  }
0x2c: {  	s7 =	sld [smem:$0x3FB3]  }
0x2d: {  	s3 =	simm.s32 $0x108;
	s8 =	sld [smem:$0x3FB4]  }
0x2e: {  	s3 =	simm.s32 @!p0 $0x1082;
	s9 =	sld [smem:$0x3FB5]  }
0x2f: {  	lr =	sadd.s32 s0, s3;
	s0 =	sld [smem:$0x3FAC]  }
0x30: {  	s3 =	sld [smem:$0x3FAF]  }
0x31: {  	[smem:$0x3FB8] =	sst s10  }
0x32: {  	s10 =	sld [smem:$0x3FB6];
	_ =	sdelay $0x3  }
0x33: {  	p0 =	seq.s32 s10, $0x1;
	s10 =	sld [smem:$0x3FB8];
	_ =	sdelay $0x3  }
0x34: {  	[smem:$0x3FB8] =	sst s10  }
0x35: {  	s10 =	sld [smem:$0x3FB7];
	_ =	sdelay $0x3  }
0x36: {  	p1 =	seq.s32 s10, $0x1;
	s10 =	sld [smem:$0x3FB8];
	_ =	sdelay $0x3  }
0x37: {  	[smem:$0x3FB8] =	sst s10  }
0x38: {  	s10 =	sld [smem:$0x3FB9]  }
0x39: {  	_ = 	snop;
	(pc) =	sbr.ind lr, $3  }
0x3a: {  	_ = 	snop  }
0x3b: {  	_ = 	snop  }
0x3c: {  	p2 =	seq.s32 s10, $0x1;
	s10 =	sld [smem:$0x3FB8]  }
0x3d: {  	_ =	shalt  }
0x3e: {  	_ =	shalt  }
0x3f: {  	_ =	shalt  }
0x40: {  	_ =	shalt  }
0x41: {  	_ =	shalt  }
0x42: {  	_ =	shalt  }
0x43: {  	_ =	shalt  }
0x44: {  	_ =	shalt  }
0x45: {  	_ =	shalt  }
0x46: {  	_ =	shalt  }
0x47: {  	_ =	shalt  }
0x48: {  	_ =	shalt  }
0x49: {  	_ =	shalt  }
0x4a: {  	_ =	shalt  }
0x4b: {  	_ =	shalt  }
0x4c: {  	_ =	shalt  }
0x4d: {  	_ =	shalt  }
0x4e: {  	_ =	shalt  }
0x4f: {  	_ =	shalt  }
0x50: {  	_ =	shalt  }
0x51: {  	_ =	shalt  }
0x52: {  	_ =	shalt  }
0x53: {  	_ =	shalt  }
0x54: {  	_ =	shalt  }
0x55: {  	_ =	shalt  }
0x56: {  	_ =	shalt  }
0x57: {  	_ =	shalt  }
0x58: {  	_ =	shalt  }
0x59: {  	_ =	shalt  }
0x5a: {  	_ =	shalt  }
0x5b: {  	_ =	shalt  }
0x5c: {  	_ =	shalt  }
0x5d: {  	_ =	shalt  }
0x5e: {  	_ =	shalt  }
0x5f: {  	_ =	shalt  }
0x60: {  	_ =	shalt  }
0x61: {  	_ =	shalt  }
0x62: {  	_ =	shalt  }
0x63: {  	_ =	shalt  }
0x64: {  	_ =	shalt  }
0x65: {  	_ =	shalt  }
0x66: {  	_ =	shalt  }
0x67: {  	_ =	shalt  }
0x68: {  	_ =	shalt  }
0x69: {  	_ =	shalt  }
0x6a: {  	_ =	shalt  }
0x6b: {  	_ =	shalt  }
0x6c: {  	_ =	shalt  }
0x6d: {  	_ =	shalt  }
0x6e: {  	_ =	shalt  }
0x6f: {  	_ =	shalt  }
0x70: {  	_ =	shalt  }
0x71: {  	_ =	shalt  }
0x72: {  	_ =	shalt  }
0x73: {  	_ =	shalt  }
0x74: {  	_ =	shalt  }
0x75: {  	_ =	shalt  }
0x76: {  	_ =	shalt  }
0x77: {  	_ =	shalt  }
0x78: {  	_ =	shalt  }
0x79: {  	_ =	shalt  }
0x7a: {  	_ =	shalt  }
0x7b: {  	_ =	shalt  }
0x7c: {  	_ =	shalt  }
0x7d: {  	_ =	shalt  }
0x7e: {  	_ =	shalt  }
0x7f: {  	_ =	shalt  }
0x80: {  	_ =	shalt  }
0x81: {  	_ =	shalt  }
0x82: {  	_ =	shalt  }
0x83: {  	_ =	shalt  }
0x84: {  	_ =	shalt  }
0x85: {  	_ =	shalt  }
0x86: {  	_ =	shalt  }
0x87: {  	_ =	shalt  }
.Lfunc_end0:
.L_simem_size_0:
called_computation.1_lowered:
.L_overlay_start_0:
0x88: {  	s2 =	sld [smem:$0x3FD9]  }
0x89: {  	s3 =	sld [smem:$0x3FFE];
	_ =	sdelay $0x1  }
0x8a: {  	s1 =	srdreg.scid  }
0x8b: {  	s0 =	sand.u32 $0x1, s1  }
0x8c: {  	s17 =	sshll.u32 s0, $0xA;
	s2 =	sadd.s32 s3, s2  }
0x8d: {  	s2 =	sadd.s32 s2, s17  }
0x8e: {  	[smem:$0x3FC4] =	sst s2  }
0x8f: {  	_ = 	snop  }
0x90: {  	s2 =	sld [smem:$0x3FD0];
	(tm) =	ssettm $0x1  }
0x91: {  	s18 =	sld [smem:$0x3FFB];
	_ =	sdelay $0x3  }
0x92: {  	_ =	strace s18  }
0x93: {  	s3 =	sld [smem:$0x3FFC];
	_ =	sdelay $0x3  }
0x94: {  	_ =	strace s3  }
0x95: {  	s3 =	sld [smem:$0x3FFD];
	_ =	sdelay $0x3  }
0x96: {  	_ =	strace s3  }
0x97: {  	_ =	strace $0x8FFFFFFF  }
0x98: {  	s19 =	sld [smem:$0x3FDB];
	_ =	sdelay $0x1  }
0x99: {  	s4 =	simm.s32 $_scs_section_size  }
0x9a: {  	s5 =	simm.s32 $_size__tile_overlayer_lowered;
	s6 =	simm.s32 $_tile_overlayer_lowered  }
0x9b: {  	s22 =	simm.s32 $0x1BFF;
	s21 =	sshll.u32 s6, $0x1;
	s3 =	sadd.s32 s4, s19  }
0x9c: {  	s7 =	simm.s32 $0x0;
	s20 =	sshll.u32 s5, $0x1;
	s5 =	sadd.s32 s21, s3  }
0x9d: {  	[timem:s7], [sflag:s22] =	dma.local [hbm:s5], s20  }
0x9e: {  	_ =	swait.ge [sflag:s22], s20  }
0x9f: {  	s4 =	ssub.s32 $0x0, s20;
	[sflag:s22] =	ssyncset.done $0x0  }
0xa0: {  	[sflag:s22] =	ssyncadd.s32 s4;
	_ =	sdelay $0x1  }
0xa1: {  	s23 =	simm.s32 $0x1B8B  }
0xa2: {  	_ =	swait.ge [sflag:s23], $0x1  }
0xa3: {  	[sflag:s23] =	ssyncset.done $0x0  }
0xa4: {  	s25 =	simm.s32 $0x1B8E;
	s24 =	sld [smem:$0x3FFE];
	[sflag:s23] =	ssyncadd.s32 $0xFFFFFFFF  }
0xa5: {  	s26 =	simm.s32 $execute0_lowered;
	[smem:$0x3FD2] =	sst s25  }
0xa6: {  	s5 =	sshll.u32 s26, $0x1;
	_ =	strace $0x80000049;
	[dreg:$0x1] =	wrdreg $0xFFFFFFFF  }
0xa7: {  	s28 =	simm.s32 $_size_execute0_lowered;
	s3 =	sadd.s32 s3, s5;
	[dreg:$0x0] =	wrdreg $0x0  }
0xa8: {  	s5 =	sshll.u32 s28, $0x1;
	[dreg:$0x2] =	wrdreg s3  }
0xa9: {  	[dreg:$0x3] =	wrdreg s5  }
0xaa: {  	[dreg:$0x4] =	wrdreg $0xC0  }
0xab: {  	_ =	task [dreg:s7], $0x5FFFF  }
0xac: {  	[dreg:$0x1] =	wrdreg $0xFFFFFFFF  }
0xad: {  	[dreg:$0x0] =	wrdreg $0x60  }
0xae: {  	[dreg:$0x2] =	wrdreg s24  }
0xaf: {  	[dreg:$0x3] =	wrdreg s2  }
0xb0: {  	[dreg:$0x4] =	wrdreg $0x0  }
0xb1: {  	[dreg:$0x5] =	wrdreg $0x9  }
0xb2: {  	_ =	task.clear_ibuf [dreg:s7], $0x6FFFF;
	_ =	strace $0x90000049  }
0xb3: {  	s29 =	simm.s32 $0x9;
	_ =	strace $0x8000004B  }
0xb4: {  	_ =	swait.ge [sflag:s29], $0x1  }
0xb5: {  	[sflag:s29] =	ssyncadd.s32 $0xFFFFFFFF  }
0xb6: {  	_ =	strace $0x9000004B  }
0xb7: {  	_ =	sfence  }
0xb8: {  	s30 =	sld [smem:$0x0];
	_ =	sdelay $0x2  }
0xb9: {  	s31 =	sshll.u32 s1, $0xD;
	s1 =	sshrl.u32 s1, $0x2  }
0xba: {  	s3 =	sand.u32 $0x4000, s31;
	s1 =	sadd.s32 s1, s30  }
0xbb: {  	s0 =	sor.u32 s3, s0;
	s1 =	sshll.u32 s1, $0x11  }
0xbc: {  	s0 =	sor.u32 s1, s0  }
0xbd: {  	s0 =	sadd.s32 $0x8F2B, s0  }
0xbe: {  	[sflag:s0] =	ssyncadd.remote.s32 $0x1  }
0xbf: {  	_ =	sfence.sel $0xFFFF  }
0xc0: {  	[dreg:$0x0] =	wrdreg $0xFFFFFFFF;
	(pc) =	sbr.abs _section_cstart, $3  }
0xc1: {  	[dreg:$0x1] =	wrdreg $0xFFFFFFFF  }
0xc2: {  	_ =	task.clear_ibuf [dreg:s7], $0x2FFFF;
	_ =	strace $0x9FFFFFFF  }
0xc3: {  	(tm) =	ssettm $0x7FFFFFFF  }
tec
execute0_lowered:
.L_overlay_start_1:
0x0: {  	(tag) =	ssettag $0x1  }
0x1: {  	s0 =	rddreg [dreg:$0x0]  }
0x2: {  	s2 =	rddreg [dreg:$0x1]  }
0x3: {  	s3 =	rddreg [dreg:$0x2];
	s4 =	simm.s32 $0x0  }
0x4: {  	s13 =	stileid.u32;
	s1 =	srdreg.scid;
	s29 =	simm.s32 $0x1  }
0x5: {  	s30 =	simm.s32 $0x50;
	[smem:$0x7FF] =	sst s4;
	s7 =	smul.u32 $0x14000, s13  }
0x6: {  	s1 =	sand.u32 $0x1, s1;
	s5 =	sadd.s32 $0xB000, s0;
	s17 =	smul.u32 $0x50000, s13  }
0x7: {  	s6 =	sadd.s32 $0x1200, s0;
	s20 =	smul.u32 $0x2710, s13;
	s21 =	sshll.u32 s13, $0x6  }
0x8: {  	_ =	strace $0x8000004A;
	s8 =	smul.u32 $0x140000, s1;
	s9 =	sshll.u32 s1, $0x4  }
0x9: {  	s11 =	ssub.s32 $0x2, s1;
	s1 =	smul.u32 $0x27100, s1;
	s10 =	sshrl.u32 s7, $0x3  }
0xa: {  	s28 =	sor.u32 s13, s9;
	s15 =	sshrl.u32 s11, $0x1;
	s13 =	sor.u32 $0x1C07, s21  }
0xb: {  	s7 =	sadd.s32 s7, s8;
	s10 =	sadd.s32 s10, s0;
	s9 =	ssub.s32 s11, s15  }
0xc: {  	s11 =	sshrl.u32 s17, $0x2;
	s1 =	sadd.s32 s20, s1;
	[dreg:$0xa] =	wrdreg s13  }
0xd: {  	s31 =	sshrl.u32 s7, $0x3;
	s7 =	smul.u32 $0x2710, s28;
	s11 =	sadd.s32 s11, s3  }
0xe: {  	s8 =	sadd.s32 $0x14E00, s10;
	s1 =	sadd.s32 $0x140, s1;
	[dreg:$0x8] =	wrdreg s11  }
0xf: {  	s26 =	smax.u32 s9, $0x1;
	s0 =	sadd.s32 s31, s0;
	[dreg:$0x9] =	wrdreg s8  }
0x10: {  	s1 =	sshrl.u32 s1, $0x3;
	[dreg:$0x10] =	wrdreg s26;
	s0 =	sadd.s32 $0x3CE00, s0  }
0x11: {  	s17 =	simm.s32 $0x14400;
	s28 =	sadd.s32 s1, s6;
	[dreg:$0xf] =	wrdreg s0  }
0x12: {  	s16 =	sshrl.u32 s7, $0x3;
	s31 =	sadd.s32 s1, s5;
	[dreg:$0x11] =	wrdreg s28  }
0x13: {  	s9 =	simm.s32 $0x3;
	s12 =	sadd.s32 s5, s16;
	[dreg:$0x12] =	wrdreg s31  }
0x14: {  	s18 =	sadd.s32 s6, s16;
	s19 =	sadd.s32 $0xA, s16;
	[dreg:$0x4] =	wrdreg s12  }
0x15: {  	s26 =	simm.s32 $0x2;
	[dreg:$0x5] =	wrdreg s18;
	s14 =	sadd.s32 s5, s19  }
0x16: {  	s22 =	sadd.s32 $0x14, s16;
	s12 =	sadd.s32 s6, s19;
	[dreg:$0x6] =	wrdreg s14  }
0x17: {  	s11 =	simm.s32 $0x6;
	s23 =	sadd.s32 s5, s22;
	[dreg:$0x7] =	wrdreg s12  }
0x18: {  	s25 =	sadd.s32 $0x1E, s16;
	s24 =	sadd.s32 s6, s22;
	[dreg:$0xb] =	wrdreg s23  }
0x19: {  	s1 =	simm.s32 $0x0;
	s10 =	sadd.s32 s5, s25;
	[dreg:$0xc] =	wrdreg s24  }
0x1a: {  	s16 =	simm.s32 $0x7;
	s8 =	sadd.s32 s6, s25;
	[dreg:$0xd] =	wrdreg s10  }
0x1b: {  	s18 =	simm.s32 $0x16C00;
	s19 =	simm.s32 $0x14380;
	[dreg:$0xe] =	wrdreg s8  }
0x1c: {  	s8 =	simm.s32 $0x14200;
	s10 =	simm.s32 $0x5;
	s12 =	simm.s32 $0x4  }
.LBB2_1:
0x1d: {  	[dreg:$0x13] =	wrdreg s1  }
0x1e: {  	s0 =	rddreg [dreg:$0x4]  }
0x1f: {  	s15 =	rddreg [dreg:$0x5]  }
0x20: {  	s20 =	rddreg [dreg:$0x6]  }
0x21: {  	s28 =	simm.s32 $0x14000;
	s21 =	rddreg [dreg:$0x7]  }
0x22: {  	[tilespmem:s28], [sflag:$0x1] =	stream.linear.gather [hbm4b:s0+s4], $0x50, $0x38;
	[tilespmem:$0x1BC00] =	vst v63  }
0x23: {  	s22 =	rddreg [dreg:$0x8]  }
0x24: {  	[tilespmem:s8], [sflag:$0x1] =	stream.linear.gather [hbm4b:s15+s4], $0x50, $0x38;
	[tilespmem:$0x1BC00] =	vst v63  }
0x25: {  	s14 =	simm.s32 $0x14080;
	s24 =	rddreg [dreg:$0x9];
	s23 =	sshrl.u32 s22, $0x3  }
0x26: {  	[tilespmem:s14], [sflag:$0x2] =	stream.linear.gather [hbm4b:s20+s4], $0x50, $0x38;
	[tilespmem:$0x1BC00] =	vst v63  }
0x27: {  	[dreg:$0x14] =	wrdreg s23;
	s15 =	simm.s32 $0x14280  }
0x28: {  	[tilespmem:s15], [sflag:$0x2] =	stream.linear.gather [hbm4b:s21+s4], $0x50, $0x38;
	[tilespmem:$0x1BC00] =	vst v63  }
0x29: {  	[spmem:s23], [sflag:s13] =	dma.local [hbm:s24], $0x2800  }
0x2a: {  	_ =	swait.ge [sflag:s16], $0x2800  }
0x2b: {  	[sflag:s16] =	ssyncset.done $0x0  }
0x2c: {  	[sflag:s16] =	ssyncadd.s32 $0xFFFFD800  }
0x2d: {  	[bflag:$0x0] =	sbarrier.arrive $0xFFFF  }
0x2e: {  	_ =	swait.ge [sflag:s29], $0x50  }
0x2f: {  	[sflag:s29] =	ssyncset.done $0x0  }
0x30: {  	[sflag:s29] =	ssyncadd.s32 $0xFFFFFFB0  }
0x31: {  	_ =	swait.ge [sflag:s29], $0x50  }
0x32: {  	[sflag:s29] =	ssyncset.done $0x0  }
0x33: {  	[sflag:s29] =	ssyncadd.s32 $0xFFFFFFB0  }
0x34: {  	[tilespmem:s17], [sflag:$0x3] =	stream.indirect.gather [hbm4b:s2+s30], $0x80, s28, s30, $0xb8;
	[tilespmem:$0x1BC00] =	vst v63  }
0x35: {  	s25 =	rddreg [dreg:$0xb];
	s28 =	simm.s32 $0x14100  }
0x36: {  	[tilespmem:s28], [sflag:$0x1] =	stream.linear.gather [hbm4b:s25+s4], $0x50, $0x38;
	[tilespmem:$0x1BC00] =	vst v63  }
0x37: {  	s16 =	simm.s32 $0x14300;
	s15 =	rddreg [dreg:$0xc]  }
0x38: {  	[tilespmem:s16], [sflag:$0x1] =	stream.linear.gather [hbm4b:s15+s4], $0x50, $0x38;
	[tilespmem:$0x1BC00] =	vst v63  }
0x39: {  	_ =	swait.ge [sflag:s26], $0x50  }
0x3a: {  	[sflag:s26] =	ssyncset.done $0x0  }
0x3b: {  	s23 =	simm.s32 $0x1;
	[sflag:s26] =	ssyncadd.s32 $0xFFFFFFB0  }
0x3c: {  	s0 =	smul.u32 $0x56, s23;
	_ =	swait.ge [sflag:s26], $0x50  }
0x3d: {  	[sflag:s26] =	ssyncset.done $0x0  }
0x3e: {  	s24 =	sshrl.u32 s0, $0x1F;
	s0 =	sshrl.u32 s0, $0x8;
	[sflag:s26] =	ssyncadd.s32 $0xFFFFFFB0  }
0x3f: {  	[tilespmem:s18], [sflag:$0x4] =	stream.indirect.gather [hbm4b:s2+s30], $0x80, s14, s30, $0xb8;
	[tilespmem:$0x1BC00] =	vst v63  }
0x40: {  	s20 =	simm.s32 $0x14180;
	s0 =	sadd.s32 s24, s0;
	s18 =	rddreg [dreg:$0xd]  }
0x41: {  	[tilespmem:s20], [sflag:$0x2] =	stream.linear.gather [hbm4b:s18+s4], $0x50, $0x38;
	[tilespmem:$0x1BC00] =	vst v63  }
0x42: {  	s0 =	smul.u32 $0x3, s0;
	s21 =	rddreg [dreg:$0xe]  }
0x43: {  	[tilespmem:s19], [sflag:$0x2] =	stream.linear.gather [hbm4b:s21+s4], $0x50, $0x38;
	[tilespmem:$0x1BC00] =	vst v63  }
0x44: {  	s0 =	ssub.s32 $0x1, s0;
	_ =	swait.ge [sflag:s9], $0x2800  }
0x45: {  	s0 =	sshll.u32 s0, $0x18;
	[sflag:s9] =	ssyncset.done $0x0  }
0x46: {  	s0 =	sshra.s32 s0, $0x18;
	[sflag:s9] =	ssyncadd.s32 $0xFFFFD800  }
0x47: {  	[spmem:s3] =	stream.indirect.scatter.add.f32 [tilespmem:s17], [sflag:$0x5], $0x80, s8, s30, $0xb8;
	[tilespmem:$0x1BC00] =	vst v63  }
0x48: {  	s22 =	simm.s32 $0x19400;
	s0 =	smul.u32 $0xA000, s0;
	_ =	swait.ge [sflag:s29], $0x50  }
0x49: {  	s13 =	smul.u32 $0xAB, s12;
	s23 =	simm.s32 $0x800;
	[sflag:s29] =	ssyncset.done $0x0  }
0x4a: {  	s0 =	sshra.s32 s0, $0x2;
	s25 =	simm.s32 $0x200;
	[sflag:s29] =	ssyncadd.s32 $0xFFFFFFB0  }
0x4b: {  	s0 =	sadd.s32 $0x14400, s0;
	s25 =	sand.u32 $0x100, s25;
	_ =	swait.ge [sflag:s29], $0x50  }
0x4c: {  	s16 =	simm.s32 $0x6;
	s14 =	sadd.s32 $0xFFFFFF55, s13;
	[sflag:s29] =	ssyncset.done $0x0  }
0x4d: {  	s18 =	sshrl.u32 s14, $0x9;
	s20 =	simm.s32 $0x600;
	[sflag:s29] =	ssyncadd.s32 $0xFFFFFFB0  }
0x4e: {  	[tilespmem:s22], [sflag:$0x3] =	stream.indirect.gather [hbm4b:s2+s30], $0x80, s28, s30, $0xb8;
	[tilespmem:$0x1BC00] =	vst v63  }
0x4f: {  	s18 =	sand.u32 $0x7F, s18;
	s20 =	sand.u32 $0x600, s20;
	s28 =	simm.s32 $0x0  }
0x50: {  	s18 =	smul.u32 $0x3, s18;
	s20 =	sshrl.u32 s20, $0x2;
	s8 =	sand.u32 $0x3, s28  }
0x51: {  	s19 =	simm.s32 $0x8;
	s21 =	sor.u32 $0x14000, s20;
	s8 =	sadd.s32 $0x1, s8  }
0x52: {  	s20 =	sor.u32 $0x14200, s25;
	s18 =	sxor.u32 $0xFFFFFFFF, s18;
	s8 =	sand.u32 $0xFC, s8  }
0x53: {  	s18 =	sadd.s32 $0x4, s18;
	_ =	swait.ge [sflag:s12], $0x2800;
	s8 =	ssub.s32 $0x1, s8  }
0x54: {  	s17 =	sshrl.u32 s13, $0x9;
	[sflag:s12] =	ssyncset.done $0x0;
	s8 =	sshll.u32 s8, $0x18  }
0x55: {  	s15 =	sand.u32 $0xFF, s18;
	[sflag:s12] =	ssyncadd.s32 $0xFFFFD800;
	s8 =	sshra.s32 s8, $0x18  }
0x56: {  	s17 =	sand.u32 $0x7F, s17;
	_ =	swait.ge [sflag:s10], $0x2800;
	s8 =	sshll.u32 s8, $0x9  }
0x57: {  	s17 =	smul.u32 $0x3, s17;
	[sflag:s10] =	ssyncset.done $0x0;
	s8 =	sshra.s32 s8, $0x2  }
0x58: {  	s22 =	simm.s32 $0x2;
	[sflag:s10] =	ssyncadd.s32 $0xFFFFD800;
	s8 =	sadd.s32 $0x14200, s8  }
0x59: {  	[spmem:s3] =	stream.indirect.scatter.add.f32 [tilespmem:s0], [sflag:$0x6], $0x80, s8, s30, $0xb8;
	[tilespmem:$0x1BC00] =	vst v63  }
0x5a: {  	s13 =	sor.u32 $0x14000, s25;
	s28 =	sand.u32 $0xFF, s22;
	_ =	swait.ge [sflag:s26], $0x50  }
0x5b: {  	s18 =	ssub.s32 $0x4, s17;
	s24 =	smul.u32 $0xAB, s28;
	[sflag:s26] =	ssyncset.done $0x0  }
0x5c: {  	s28 =	simm.s32 $0x400;
	s0 =	smul.u32 $0xA000, s15;
	[sflag:s26] =	ssyncadd.s32 $0xFFFFFFB0  }
0x5d: {  	s17 =	sand.u32 $0x400, s28;
	s14 =	sshrl.u32 s24, $0x9;
	_ =	swait.ge [sflag:s26], $0x50  }
0x5e: {  	s17 =	sshrl.u32 s17, $0x2;
	s0 =	sshrl.u32 s0, $0x2;
	[sflag:s26] =	ssyncset.done $0x0  }
0x5f: {  	s8 =	sand.u32 $0xFF, s18;
	s0 =	sadd.s32 $0x14400, s0;
	[sflag:s26] =	ssyncadd.s32 $0xFFFFFFB0  }
0x60: {  	[tilespmem:s0], [sflag:$0x4] =	stream.indirect.gather [hbm4b:s2+s30], $0x80, s21, s30, $0xb8;
	[tilespmem:$0x1BC00] =	vst v63  }
0x61: {  	s18 =	smin.u32 s22, $0x79;
	s8 =	smul.u32 $0xA000, s8;
	s15 =	rddreg [dreg:$0x12]  }
0x62: {  	[tilespmem:s13], [sflag:$0x1] =	stream.linear.gather [hbm4b:s15+s4], $0x50, $0x38;
	[tilespmem:$0x1BC00] =	vst v63  }
0x63: {  	s1 =	sshrl.u32 s8, $0x2;
	s8 =	smul.u32 $0x3, s14;
	s21 =	rddreg [dreg:$0x11]  }
0x64: {  	[tilespmem:s20], [sflag:$0x1] =	stream.linear.gather [hbm4b:s21+s4], $0x50, $0x38;
	[tilespmem:$0x1BC00] =	vst v63  }
0x65: {  	s22 =	sadd.s32 $0x3, s18;
	s24 =	ssub.s32 $0x2, s8;
	_ =	swait.ge [sflag:s9], $0x2800  }
0x66: {  	s25 =	smul.u32 $0x50, s22;
	s0 =	sand.u32 $0xFF, s24;
	[sflag:s9] =	ssyncset.done $0x0  }
0x67: {  	s17 =	sor.u32 $0x14200, s17;
	s0 =	smul.u32 $0xA000, s0;
	[sflag:s9] =	ssyncadd.s32 $0xFFFFD800  }
0x68: {  	s31 =	sshll.u32 s22, $0x7;
	s8 =	sadd.s32 s7, s25;
	_ =	swait.ge [sflag:s11], $0x2800  }
0x69: {  	s25 =	simm.s32 $0x300;
	s0 =	sshrl.u32 s0, $0x2;
	[sflag:s11] =	ssyncset.done $0x0  }
0x6a: {  	s18 =	sadd.s32 $0x14, s15;
	s0 =	sadd.s32 $0x14400, s0;
	[sflag:s11] =	ssyncadd.s32 $0xFFFFD800  }
0x6b: {  	[spmem:s3] =	stream.indirect.scatter.add.f32 [tilespmem:s0], [sflag:$0x5], $0x80, s17, s30, $0xb8;
	[tilespmem:$0x1BC00] =	vst v63  }
0x6c: {  	s24 =	simm.s32 $0x3;
	s17 =	sadd.s32 $0x14, s21;
	s0 =	simm.s32 $0x3000000  }
.LBB2_2:
0x6d: {  	s20 =	sshra.s32 s0, $0x18  }
0x6e: {  	s14 =	smul.u32 $0xAB, s16;
	s31 =	sand.u32 $0x180, s31;
	s0 =	smov.u32 s19  }
0x6f: {  	s1 =	sadd.s32 $0x14400, s1;
	s21 =	smul.u32 $0x56, s20;
	s22 =	sshrl.u32 s20, $0xD  }
0x70: {  	s20 =	sadd.s32 $0x2, s19;
	s28 =	sor.u32 $0x14200, s31;
	s22 =	sand.u32 $0x3, s22  }
0x71: {  	s15 =	sshrl.u32 s21, $0x1F;
	s21 =	sshrl.u32 s21, $0x8;
	s22 =	sadd.s32 s22, s24  }
0x72: {  	s8 =	sshrl.u32 s8, $0x3;
	s15 =	sadd.s32 s15, s21;
	s21 =	sand.u32 $0xFC, s22  }
0x73: {  	s22 =	sand.u32 $0x400, s23;
	s15 =	smul.u32 $0x3, s15;
	s21 =	ssub.s32 s24, s21  }
0x74: {  	s31 =	sor.u32 $0x14000, s31;
	s13 =	sadd.s32 s5, s8;
	_ =	swait.ge [sflag:s29], $0x50  }
0x75: {  	s21 =	sshll.u32 s21, $0x18;
	s15 =	ssub.s32 s24, s15;
	[sflag:s29] =	ssyncset.done $0x0  }
0x76: {  	s22 =	sshrl.u32 s22, $0x2;
	s24 =	sadd.s32 $0xFFFFFF55, s14;
	[sflag:s29] =	ssyncadd.s32 $0xFFFFFFB0  }
0x77: {  	s21 =	sshra.s32 s21, $0x18;
	s15 =	sshll.u32 s15, $0x18;
	_ =	swait.ge [sflag:s29], $0x50  }
0x78: {  	s22 =	sor.u32 $0x14000, s22;
	s24 =	sshrl.u32 s24, $0x9;
	s15 =	sshra.s32 s15, $0x18  }
0x79: {  	s14 =	sshrl.u32 s14, $0x9;
	s24 =	sand.u32 $0x7F, s24;
	[sflag:s29] =	ssyncset.done $0x0  }
0x7a: {  	p0 =	sne.s32 s19, $0x7C;
	s15 =	smul.u32 $0xA000, s15;
	[sflag:s29] =	ssyncadd.s32 $0xFFFFFFB0  }
0x7b: {  	[tilespmem:s1], [sflag:$0x3] =	stream.indirect.gather [hbm4b:s2+s30], $0x80, s22, s30, $0xb8;
	[tilespmem:$0x1BC00] =	vst v63  }
0x7c: {  	s23 =	sadd.s32 $0x400, s23;
	s14 =	sand.u32 $0x7F, s14;
	s1 =	smul.u32 $0x3, s24  }
0x7d: {  	[tilespmem:s31], [sflag:$0x2] =	stream.linear.gather [hbm4b:s13+s4], $0x50, $0x38;
	[tilespmem:$0x1BC00] =	vst v63  }
0x7e: {  	s8 =	sadd.s32 s6, s8;
	s14 =	smul.u32 $0x3, s14;
	s13 =	sshll.u32 s21, $0x9  }
0x7f: {  	[tilespmem:s28], [sflag:$0x2] =	stream.linear.gather [hbm4b:s8+s4], $0x50, $0x38;
	[tilespmem:$0x1BC00] =	vst v63  }
0x80: {  	s1 =	sxor.u32 $0xFFFFFFFF, s1;
	s8 =	sadd.s32 $0xFFFFFE00, s23;
	_ =	swait.ge [sflag:s12], $0x2800  }
0x81: {  	s1 =	sadd.s32 s16, s1;
	s8 =	sand.u32 $0x600, s8;
	[sflag:s12] =	ssyncset.done $0x0  }
0x82: {  	s13 =	sshra.s32 s13, $0x2;
	s8 =	sshrl.u32 s8, $0x2;
	[sflag:s12] =	ssyncadd.s32 $0xFFFFD800  }
0x83: {  	s15 =	sshra.s32 s15, $0x2;
	s8 =	sor.u32 $0x14000, s8;
	_ =	swait.ge [sflag:s10], $0x2800  }
0x84: {  	s13 =	sadd.s32 $0x14200, s13;
	s1 =	sand.u32 $0xFF, s1;
	[sflag:s10] =	ssyncset.done $0x0  }
0x85: {  	s14 =	ssub.s32 s16, s14;
	s15 =	sadd.s32 $0x14400, s15;
	[sflag:s10] =	ssyncadd.s32 $0xFFFFD800  }
0x86: {  	[spmem:s3] =	stream.indirect.scatter.add.f32 [tilespmem:s15], [sflag:$0x6], $0x80, s13, s30, $0xb8;
	[tilespmem:$0x1BC00] =	vst v63  }
0x87: {  	s1 =	smul.u32 $0xA000, s1;
	s13 =	sand.u32 $0xFF, s14;
	_ =	swait.ge [sflag:s26], $0x50  }
0x88: {  	s13 =	smul.u32 $0xA000, s13;
	[sflag:s26] =	ssyncset.done $0x0  }
0x89: {  	s14 =	sshrl.u32 s1, $0x2;
	[sflag:s26] =	ssyncadd.s32 $0xFFFFFFB0  }
0x8a: {  	s1 =	sshrl.u32 s13, $0x2;
	_ =	swait.ge [sflag:s26], $0x50  }
0x8b: {  	s15 =	sand.u32 $0x100, s25;
	s13 =	sadd.s32 $0xFFFFFFFE, s16;
	[sflag:s26] =	ssyncset.done $0x0  }
0x8c: {  	s16 =	sand.u32 $0xFF, s13;
	s19 =	smin.u32 s13, $0x79;
	[sflag:s26] =	ssyncadd.s32 $0xFFFFFFB0  }
0x8d: {  	s14 =	sadd.s32 $0x14400, s14;
	s21 =	sor.u32 $0x14200, s15;
	s22 =	smul.u32 $0xAB, s16  }
0x8e: {  	[tilespmem:s14], [sflag:$0x4] =	stream.indirect.gather [hbm4b:s2+s30], $0x80, s8, s30, $0xb8;
	[tilespmem:$0x1BC00] =	vst v63  }
0x8f: {  	s16 =	smov.u32 s0;
	s8 =	sor.u32 $0x14000, s15;
	s14 =	sadd.s32 $0x3, s19  }
0x90: {  	s25 =	sadd.s32 $0x100, s25;
	s0 =	sshrl.u32 s22, $0x9;
	s15 =	smul.u32 $0x50, s14  }
0x91: {  	[tilespmem:s8], [sflag:$0x1] =	stream.linear.gather [hbm4b:s18+s4], $0x50, $0x38;
	[tilespmem:$0x1BC00] =	vst v63  }
0x92: {  	s24 =	sadd.s32 $0xFFFFFFFD, s16;
	s0 =	smul.u32 $0x3, s0;
	s8 =	sadd.s32 s7, s15  }
0x93: {  	[tilespmem:s21], [sflag:$0x1] =	stream.linear.gather [hbm4b:s17+s4], $0x50, $0x38;
	[tilespmem:$0x1BC00] =	vst v63  }
0x94: {  	s0 =	ssub.s32 s13, s0;
	s13 =	sadd.s32 $0xFFFFFC00, s23;
	_ =	swait.ge [sflag:s9], $0x2800  }
0x95: {  	s0 =	sand.u32 $0xFF, s0;
	s18 =	sadd.s32 $0x14, s18;
	[sflag:s9] =	ssyncset.done $0x0  }
0x96: {  	s13 =	sand.u32 $0x400, s13;
	s0 =	smul.u32 $0xA000, s0;
	[sflag:s9] =	ssyncadd.s32 $0xFFFFD800  }
.Ltmp0:
0x97: {  	s17 =	sadd.s32 $0x14, s17;
	_ =	swait.ge [sflag:s11], $0x2800;
	(pc) =	sbr.rel @p0 .LBB2_2-.Ltmp0, $4  }
0x98: {  	s13 =	sshrl.u32 s13, $0x2;
	s0 =	sshrl.u32 s0, $0x2;
	[sflag:s11] =	ssyncset.done $0x0  }
0x99: {  	s19 =	smov.u32 s20;
	s15 =	sadd.s32 $0x14400, s0;
	[sflag:s11] =	ssyncadd.s32 $0xFFFFD800  }
0x9a: {  	s31 =	sshll.u32 s14, $0x7;
	s13 =	sor.u32 $0x14200, s13;
	s0 =	sshll.u32 s24, $0x18  }
0x9b: {  	[spmem:s3] =	stream.indirect.scatter.add.f32 [tilespmem:s15], [sflag:$0x5], $0x80, s13, s30, $0xb8;
	[tilespmem:$0x1BC00] =	vst v63  }
0x9c: {  	_ =	swait.ge [sflag:s29], $0x50  }
0x9d: {  	s13 =	sand.u32 $0x180, s31;
	s14 =	sand.u32 $0x400, s23;
	[sflag:s29] =	ssyncset.done $0x0  }
0x9e: {  	s1 =	sadd.s32 $0x14400, s1;
	s8 =	sshrl.u32 s8, $0x3;
	[sflag:s29] =	ssyncadd.s32 $0xFFFFFFB0  }
0x9f: {  	s0 =	sshra.s32 s0, $0x18;
	s19 =	smul.u32 $0xAB, s16;
	_ =	swait.ge [sflag:s29], $0x50  }
0xa0: {  	s14 =	sshrl.u32 s14, $0x2;
	s28 =	sor.u32 $0x14000, s13;
	[sflag:s29] =	ssyncset.done $0x0  }
0xa1: {  	s31 =	sadd.s32 s5, s8;
	s14 =	sor.u32 $0x14000, s14;
	[sflag:s29] =	ssyncadd.s32 $0xFFFFFFB0  }
0xa2: {  	[tilespmem:s1], [sflag:$0x3] =	stream.indirect.gather [hbm4b:s2+s30], $0x80, s14, s30, $0xb8;
	[tilespmem:$0x1BC00] =	vst v63  }
0xa3: {  	s13 =	sor.u32 $0x14200, s13;
	s14 =	smul.u32 $0x56, s0;
	s0 =	sshrl.u32 s0, $0xD  }
0xa4: {  	[tilespmem:s28], [sflag:$0x2] =	stream.linear.gather [hbm4b:s31+s4], $0x50, $0x38;
	[tilespmem:$0x1BC00] =	vst v63  }
0xa5: {  	s0 =	sand.u32 $0x3, s0;
	s15 =	sshrl.u32 s14, $0x1F;
	s1 =	sshrl.u32 s14, $0x8  }
0xa6: {  	s8 =	sadd.s32 s6, s8;
	s0 =	sadd.s32 s0, s24;
	s1 =	sadd.s32 s15, s1  }
0xa7: {  	[tilespmem:s13], [sflag:$0x2] =	stream.linear.gather [hbm4b:s8+s4], $0x50, $0x38;
	[tilespmem:$0x1BC00] =	vst v63  }
0xa8: {  	s0 =	sand.u32 $0xFC, s0;
	s1 =	smul.u32 $0x3, s1  }
0xa9: {  	s21 =	sadd.s32 $0x400, s23;
	s20 =	sadd.s32 $0xFFFFFF55, s19;
	s0 =	ssub.s32 s24, s0  }
0xaa: {  	s8 =	sshrl.u32 s20, $0x9;
	s0 =	sshll.u32 s0, $0x18;
	s1 =	ssub.s32 s24, s1  }
0xab: {  	s8 =	sand.u32 $0x7F, s8;
	_ =	swait.ge [sflag:s12], $0x2800;
	s1 =	sshll.u32 s1, $0x18  }
0xac: {  	s8 =	smul.u32 $0x3, s8;
	[sflag:s12] =	ssyncset.done $0x0;
	s1 =	sshra.s32 s1, $0x18  }
0xad: {  	s0 =	sshra.s32 s0, $0x18;
	[sflag:s12] =	ssyncadd.s32 $0xFFFFD800;
	s1 =	smul.u32 $0xA000, s1  }
0xae: {  	s0 =	sshll.u32 s0, $0x9;
	s8 =	sxor.u32 $0xFFFFFFFF, s8;
	_ =	swait.ge [sflag:s10], $0x2800  }
0xaf: {  	s0 =	sshra.s32 s0, $0x2;
	[sflag:s10] =	ssyncset.done $0x0;
	s1 =	sshra.s32 s1, $0x2  }
0xb0: {  	s0 =	sadd.s32 $0x14200, s0;
	[sflag:s10] =	ssyncadd.s32 $0xFFFFD800;
	s1 =	sadd.s32 $0x14400, s1  }
0xb1: {  	[spmem:s3] =	stream.indirect.scatter.add.f32 [tilespmem:s1], [sflag:$0x6], $0x80, s0, s30, $0xb8;
	[tilespmem:$0x1BC00] =	vst v63  }
0xb2: {  	s23 =	sadd.s32 $0xFFFFFE00, s21;
	s22 =	sadd.s32 s16, s8;
	_ =	swait.ge [sflag:s26], $0x50  }
0xb3: {  	s28 =	sand.u32 $0x100, s25;
	s1 =	sand.u32 $0xFF, s22;
	[sflag:s26] =	ssyncset.done $0x0  }
0xb4: {  	s24 =	sadd.s32 $0xFFFFFFFE, s16;
	s1 =	smul.u32 $0xA000, s1;
	[sflag:s26] =	ssyncadd.s32 $0xFFFFFFB0  }
0xb5: {  	s31 =	sand.u32 $0xFF, s24;
	s8 =	sand.u32 $0x600, s23;
	_ =	swait.ge [sflag:s26], $0x50  }
0xb6: {  	s8 =	sshrl.u32 s8, $0x2;
	s1 =	sshrl.u32 s1, $0x2;
	[sflag:s26] =	ssyncset.done $0x0  }
0xb7: {  	s8 =	sor.u32 $0x14000, s8;
	s1 =	sadd.s32 $0x14400, s1;
	[sflag:s26] =	ssyncadd.s32 $0xFFFFFFB0  }
0xb8: {  	[tilespmem:s1], [sflag:$0x4] =	stream.indirect.gather [hbm4b:s2+s30], $0x80, s8, s30, $0xb8;
	[tilespmem:$0x1BC00] =	vst v63  }
0xb9: {  	s15 =	sor.u32 $0x14000, s28;
	s0 =	sand.u32 $0x400, s21;
	s8 =	smul.u32 $0xAB, s31  }
0xba: {  	[tilespmem:s15], [sflag:$0x1] =	stream.linear.gather [hbm4b:s18+s4], $0x50, $0x38;
	[tilespmem:$0x1BC00] =	vst v63  }
0xbb: {  	s0 =	sshrl.u32 s0, $0x2;
	s8 =	sshrl.u32 s8, $0x9  }
0xbc: {  	s1 =	sor.u32 $0x14200, s28;
	s15 =	sshrl.u32 s19, $0x9;
	s8 =	smul.u32 $0x3, s8  }
0xbd: {  	[tilespmem:s1], [sflag:$0x1] =	stream.linear.gather [hbm4b:s17+s4], $0x50, $0x38;
	[tilespmem:$0x1BC00] =	vst v63  }
0xbe: {  	s1 =	sand.u32 $0x7F, s15;
	s8 =	ssub.s32 s24, s8;
	_ =	swait.ge [sflag:s9], $0x2800  }
0xbf: {  	s17 =	sadd.s32 $0xFFFFFC00, s21;
	s8 =	sand.u32 $0xFF, s8;
	[sflag:s9] =	ssyncset.done $0x0  }
0xc0: {  	s13 =	sand.u32 $0x400, s17;
	s8 =	smul.u32 $0xA000, s8;
	[sflag:s9] =	ssyncadd.s32 $0xFFFFD800  }
0xc1: {  	s1 =	smul.u32 $0x3, s1;
	s13 =	sshrl.u32 s13, $0x2;
	_ =	swait.ge [sflag:s11], $0x2800  }
0xc2: {  	s13 =	sor.u32 $0x14200, s13;
	s8 =	sshrl.u32 s8, $0x2;
	[sflag:s11] =	ssyncset.done $0x0  }
0xc3: {  	s1 =	ssub.s32 s16, s1;
	s8 =	sadd.s32 $0x14400, s8;
	[sflag:s11] =	ssyncadd.s32 $0xFFFFD800  }
0xc4: {  	[spmem:s3] =	stream.indirect.scatter.add.f32 [tilespmem:s8], [sflag:$0x5], $0x80, s13, s30, $0xb8;
	[tilespmem:$0x1BC00] =	vst v63  }
0xc5: {  	s18 =	smin.u32 s24, $0x79;
	s1 =	sand.u32 $0xFF, s1;
	_ =	swait.ge [sflag:s29], $0x50  }
0xc6: {  	s1 =	smul.u32 $0xA000, s1;
	s8 =	sadd.s32 $0x3, s18;
	[sflag:s29] =	ssyncset.done $0x0  }
0xc7: {  	s0 =	sor.u32 $0x14000, s0;
	s19 =	smul.u32 $0x50, s8;
	[sflag:s29] =	ssyncadd.s32 $0xFFFFFFB0  }
0xc8: {  	s1 =	sshrl.u32 s1, $0x2;
	s8 =	sshll.u32 s8, $0x7;
	_ =	swait.ge [sflag:s29], $0x50  }
0xc9: {  	s1 =	sadd.s32 $0x14400, s1;
	s13 =	sadd.s32 s7, s19;
	[sflag:s29] =	ssyncset.done $0x0  }
0xca: {  	s8 =	sand.u32 $0x180, s8;
	s13 =	sshrl.u32 s13, $0x3;
	[sflag:s29] =	ssyncadd.s32 $0xFFFFFFB0  }
0xcb: {  	[tilespmem:s1], [sflag:$0x3] =	stream.indirect.gather [hbm4b:s2+s30], $0x80, s0, s30, $0xb8;
	[tilespmem:$0x1BC00] =	vst v63  }
0xcc: {  	s20 =	sor.u32 $0x14000, s8;
	s21 =	sadd.s32 s5, s13  }
0xcd: {  	[tilespmem:s20], [sflag:$0x2] =	stream.linear.gather [hbm4b:s21+s4], $0x50, $0x38;
	[tilespmem:$0x1BC00] =	vst v63  }
0xce: {  	s22 =	sor.u32 $0x14200, s8;
	s23 =	sadd.s32 s6, s13  }
0xcf: {  	[tilespmem:s22], [sflag:$0x2] =	stream.linear.gather [hbm4b:s23+s4], $0x50, $0x38;
	[tilespmem:$0x1BC00] =	vst v63  }
0xd0: {  	_ =	swait.ge [sflag:s12], $0x2800  }
0xd1: {  	[sflag:s12] =	ssyncset.done $0x0  }
0xd2: {  	[sflag:s12] =	ssyncadd.s32 $0xFFFFD800  }
0xd3: {  	_ =	swait.ge [sflag:s10], $0x2800  }
0xd4: {  	[sflag:s10] =	ssyncset.done $0x0  }
0xd5: {  	s17 =	simm.s32 $0x14400;
	s19 =	simm.s32 $0x14380;
	[sflag:s10] =	ssyncadd.s32 $0xFFFFD800  }
0xd6: {  	[spmem:s3] =	stream.indirect.scatter.add.f32 [tilespmem:s17], [sflag:$0x6], $0x80, s19, s30, $0xb8;
	[tilespmem:$0x1BC00] =	vst v63  }
0xd7: {  	_ =	swait.ge [sflag:s9], $0x2800  }
0xd8: {  	[sflag:s9] =	ssyncset.done $0x0  }
0xd9: {  	s18 =	simm.s32 $0x16C00;
	s8 =	simm.s32 $0x14200;
	[sflag:s9] =	ssyncadd.s32 $0xFFFFD800  }
0xda: {  	[spmem:s3] =	stream.indirect.scatter.add.f32 [tilespmem:s18], [sflag:$0x5], $0x80, s8, s30, $0xb8;
	[tilespmem:$0x1BC00] =	vst v63  }
0xdb: {  	_ =	swait.ge [sflag:s11], $0x2800  }
0xdc: {  	[sflag:s11] =	ssyncset.done $0x0  }
0xdd: {  	[sflag:s11] =	ssyncadd.s32 $0xFFFFD800  }
0xde: {  	_ =	swait.ge [sflag:s10], $0x2800  }
0xdf: {  	[sflag:s10] =	ssyncset.done $0x0  }
0xe0: {  	[sflag:s10] =	ssyncadd.s32 $0xFFFFD800  }
0xe1: {  	_ =	swait.ge [sflag:s26], $0x50  }
0xe2: {  	[sflag:s26] =	ssyncset.done $0x0  }
0xe3: {  	[sflag:s26] =	ssyncadd.s32 $0xFFFFFFB0  }
0xe4: {  	_ =	swait.ge [sflag:s26], $0x50  }
0xe5: {  	[sflag:s26] =	ssyncset.done $0x0  }
0xe6: {  	[sflag:s26] =	ssyncadd.s32 $0xFFFFFFB0  }
0xe7: {  	[bflag:$0x0] =	sbarrier.arrive $0xFFFF  }
0xe8: {  	s13 =	rddreg [dreg:$0xa]  }
0xe9: {  	s24 =	rddreg [dreg:$0xf]  }
0xea: {  	s16 =	simm.s32 $0x7;
	s25 =	rddreg [dreg:$0x14]  }
0xeb: {  	[hbm:s24], [sflag:s13] =	dma.local [spmem:s25], $0x2800  }
0xec: {  	_ =	swait.ge [sflag:s16], $0x2800  }
0xed: {  	s28 =	rddreg [dreg:$0x13]  }
0xee: {  	s31 =	rddreg [dreg:$0x10];
	s1 =	sadd.s32 $0x1, s28  }
0xef: {  	p0 =	sne.s32 s1, s31  }
.Ltmp1:
0xf0: {  	_ = 	snop;
	(pc) =	sbr.rel @p0 .LBB2_1-.Ltmp1, $3  }
0xf1: {  	_ =	sdelay $0x1  }
0xf2: {  	[sflag:s16] =	ssyncset.done $0x0  }
0xf3: {  	[sflag:s16] =	ssyncadd.s32 $0xFFFFD800  }
0xf4: {  	_ =	sfence.sel $0x180000  }
0xf5: {  	[bflag:$0x0] =	sbarrier.arrive $0xFFFF  }
0xf6: {  	_ =	strace $0x9000004A  }
0xf7: {  	s0 =	stileid.u32;
	[bflag:$0x2] =	sbarrier.arrive $0xFFFF  }
0xf8: {  	p0 =	sne.s32 s0, $0x0;
	s0 =	rddreg [dreg:$0x3]  }
0xf9: {  	s0 =	sadd.s32 @!p0 $0x100000, s0  }
0xfa: {  	[sflag:s0] =	ssyncadd.tile.s32 @!p0 $0x1;
	_ =	shalt  }
.Lfunc_end2:
_tile_overlayer_lowered:
.L_overlay_start_2:
0xfb: {  	(tag) =	ssettag $0x2  }
0xfc: {  	s0 =	rddreg [dreg:$0x0];
	s2 =	stileid.u32  }
0xfd: {  	s1 =	rddreg [dreg:$0x1];
	p0 =	sne.s32 s2, $0x0  }
0xfe: {  	s3 =	rddreg [dreg:$0x2];
	[bflag:$0x3] =	sbarrier.arrive $0xFFFF;
	s2 =	simm.s32 @!p0 $0x1C07  }
0xff: {  	[timem:s3], [sflag:s2] =	dma.local @!p0 [hbm:s0], s1  }
0x100: {  	s0 =	simm.s32 @!p0 $0x7  }
0x101: {  	_ =	swait.ge @!p0 [sflag:s0], s1  }
0x102: {  	s1 =	ssub.s32 @!p0 $0x0, s1;
	[sflag:s0] =	ssyncset.done @!p0 $0x0  }
0x103: {  	[sflag:s0] =	ssyncadd.s32 @!p0 s1  }
0x104: {  	[bflag:$0x3] =	sbarrier.arrive $0xFFFF  }
0x105: {  	_ =	shalt  }

</sc_bundles>
